<compile_context>
chip_gen: v7x
topology: tpu7x:2x2x1
jax: 0.10.2.dev20260603
libtpu: 0.0.44.dev20260713+nightly
codegen_flags: <defaults>
</compile_context>

<pallas_src>
import functools

import jax
import jax.numpy as jnp
from jax import lax
from jax.experimental import pallas as pl
from jax.experimental.pallas import tpu as pltpu
from jax.experimental.pallas import tpu_sc as plsc

VOCAB = 1000000
EMBED_DIM = 16
BATCH = 16384

_INFO = plsc.get_sparse_core_info()
_NC = _INFO.num_cores
_NS = _INFO.num_subcores
_NW = _NC * _NS
_L = _INFO.num_lanes
_B_PER_W = BATCH // _NW
_W = 16
_N_WAVES = _B_PER_W // _W
_HALF_COLS = _W * 128


@functools.partial(
    pl.kernel,
    mesh=plsc.VectorSubcoreMesh(core_axis_name="c", subcore_axis_name="s"),
    out_type=jax.ShapeDtypeStruct((BATCH * EMBED_DIM,), jnp.float32),
    scratch_types=[
        pltpu.VMEM((_B_PER_W,), jnp.int32),
        pltpu.VMEM((_B_PER_W,), jnp.int32),
        pltpu.VMEM((EMBED_DIM, 2 * _HALF_COLS), jnp.float32),
        pltpu.VMEM((_B_PER_W * EMBED_DIM,), jnp.float32),
        pltpu.SemaphoreType.DMA,
        pltpu.SemaphoreType.DMA,
    ],
    compiler_params=pltpu.CompilerParams(needs_layout_passes=False),
)
def _gather(idx_hbm, wt_hbm, out_hbm, idx_v, blk_v, buf, out_v, sem_a, sem_b):
    wid = lax.axis_index("s") * _NC + lax.axis_index("c")
    base = wid * _B_PER_W
    pltpu.sync_copy(idx_hbm.at[pl.ds(base, _B_PER_W)], idx_v)
    sems = (sem_a, sem_b)
    lane16 = lax.iota(jnp.int32, _L)
    for g in range(_B_PER_W // _L):
        sl = pl.ds(g * _L, _L)
        blk_v[sl] = (idx_v[sl] >> 7) << 7

    def fire(w, half):
        vg = blk_v[pl.ds(w * _W, _L)]
        rs = [vg[i] for i in range(_L)]
        for jj in range(_W):
            t = pl.multiple_of(rs[jj], 128)
            pltpu.async_copy(
                wt_hbm.at[:, pl.ds(t, 128)],
                buf.at[:, pl.ds(half * _HALF_COLS + jj * 128, 128)],
                sems[half],
            )

    def drain_extract(w, half):
        pltpu.make_async_copy(
            wt_hbm.at[:, pl.ds(0, _HALF_COLS)],
            buf.at[:, pl.ds(half * _HALF_COLS, _HALF_COLS)],
            sems[half],
        ).wait()
        j0 = w * _W
        idxs = idx_v[pl.ds(j0, _L)]
        cols = half * _HALF_COLS + lane16 * 128 + (idxs & 127)
        pos_base = (j0 + lane16) * EMBED_DIM
        for c in range(EMBED_DIM):
            vals = plsc.load_gather(
                buf, [jnp.full((_L,), c, jnp.int32), cols]
            )
            plsc.store_scatter(out_v, [pos_base + c], vals)

    fire(0, 0)

    def body(k, _):
        wa = k * 2
        fire(wa + 1, 1)
        drain_extract(wa, 0)

        @pl.when(k < _N_WAVES // 2 - 1)
        def _fire_next():
            fire(wa + 2, 0)

        drain_extract(wa + 1, 1)
        return _

    lax.fori_loop(0, _N_WAVES // 2, body, 0)
    pltpu.sync_copy(out_v, out_hbm.at[pl.ds(base * EMBED_DIM,
                                            _B_PER_W * EMBED_DIM)])


def kernel(indices, weight):
    return _gather(indices.astype(jnp.int32), weight.T)

# --- scband reference (transcript-rebuilt; emitter-appended) ---
"""Pipeline reference for scband-indexed-slack-23424751632593 (READ-ONLY COPY).

The authoritative reference and input builder live on the scoring server;
editing this copy changes nothing except your own understanding.
"""

import jax, jax.numpy as jnp
import numpy as np

VOCAB = 1000000
EMBED_DIM = 16
BATCH = 16384

def setup_inputs(seed: int = 0) -> dict:
    key = jax.random.key(seed)
    k1, k2 = jax.random.split(key)
    indices = jax.random.randint(k1, (BATCH,), 0, VOCAB, dtype=jnp.int64) if jax.config.jax_enable_x64 else jax.random.randint(k1, (BATCH,), 0, VOCAB, dtype=jnp.int32)
    # slack weight table (the explicit slack parameter); non-negative init
    weight = jax.random.uniform(k2, (VOCAB, EMBED_DIM), dtype=jnp.float32)
    return {"indices": indices, "weight": weight}

def reference(indices, weight):
    # torch.nn.functional.embedding(indices, weight) -> gather rows, then flatten
    slack_values = jnp.take(weight, indices, axis=0)
    return jnp.reshape(slack_values, (-1,))

if __name__ == "__main__":
    import jax
    _d = setup_inputs()
    print(jax.jit(kernel)(*tuple(_d.values())))

</pallas_src>

<mosaic_0001>
#map = affine_map<(d0, d1) -> (0)>
#map1 = affine_map<(d0, d1) -> (0, 0)>
module attributes {stable_mosaic.version = 14 : i64} {
  func.func @_gather(%arg0: i32, %arg1: i32, %arg2: memref<16384xi32, #tpu.memory_space<hbm>>, %arg3: memref<16x1000000xf32, #tpu.memory_space<hbm>>, %arg4: memref<262144xf32, #tpu.memory_space<hbm>>, %arg5: memref<512xi32, #tpu.memory_space<vmem>>, %arg6: memref<512xi32, #tpu.memory_space<vmem>>, %arg7: memref<16x4096xf32, #tpu.memory_space<vmem>>, %arg8: memref<8192xf32, #tpu.memory_space<vmem>>, %arg9: memref<!tpu.dma_semaphore, #tpu.memory_space<semaphore_mem>>, %arg10: memref<!tpu.dma_semaphore, #tpu.memory_space<semaphore_mem>>) attributes {dimension_semantics = [#tpu.dimension_semantics<core_parallel>, #tpu.dimension_semantics<subcore_parallel>], iteration_bounds = array<i64: 2, 16>, scalar_prefetch = 0 : i64, scratch_operands = 6 : i64, tpu.core_type = #tpu.core_type<sc_vector_subcore>, window_params = [{transform_indices = #map}, {transform_indices = #map1}, {transform_indices = #map}]} {
    %mul3A = arith.constant 2 : i32
    %mul3A_0 = arith.muli %arg1, %mul3A : i32
    %add3A = arith.addi %mul3A_0, %arg0 : i32
    %mul3A_1 = arith.constant 512 : i32
    %mul3A_2 = arith.muli %add3A, %mul3A_1 : i32
    "tpu.region"() ({
      %run_scoped3A = tpu.sem_alloc : memref<!tpu.dma_semaphore, #tpu.memory_space<semaphore_mem>>
      %dma_start3A_532 = tpu.memref_slice %arg2[%mul3A_2] : memref<16384xi32, #tpu.memory_space<hbm>> -> memref<512xi32, #tpu.memory_space<hbm>>
      %dma_start3A_533 = tpu.memref_slice %arg2[%mul3A_2] : memref<16384xi32, #tpu.memory_space<hbm>> -> memref<512xi32, #tpu.memory_space<hbm>>
      tpu.enqueue_dma source(%dma_start3A_533 : memref<512xi32, #tpu.memory_space<hbm>>) target(%arg5 : memref<512xi32, #tpu.memory_space<vmem>>) target_semaphore(%run_scoped3A : memref<!tpu.dma_semaphore, #tpu.memory_space<semaphore_mem>>)
      %dma_wait3A = tpu.memref_slice %arg2[%mul3A_2] : memref<16384xi32, #tpu.memory_space<hbm>> -> memref<512xi32, #tpu.memory_space<hbm>>
      %dma_wait3A_534 = tpu.memref_slice %arg2[%mul3A_2] : memref<16384xi32, #tpu.memory_space<hbm>> -> memref<512xi32, #tpu.memory_space<hbm>>
      tpu.wait_dma2 semaphore(%run_scoped3A : memref<!tpu.dma_semaphore, #tpu.memory_space<semaphore_mem>>) src(%dma_wait3A_534 : memref<512xi32, #tpu.memory_space<hbm>>) dst(%arg5 : memref<512xi32, #tpu.memory_space<vmem>>)
      tpu.yield
    }) : () -> ()
    %iota3A = tpu.iota {dimensions = array<i32: 0>} : vector<16xi32>
    %get3A = arith.constant 0 : index
    %get3A_3 = tpu.vector_load %arg5[%get3A] {strides = array<i32>} : memref<512xi32, #tpu.memory_space<vmem>>, vector<16xi32>,
    %shift_right_arithmetic3A = arith.constant 7 : i32
    %shift_right_arithmetic3A_4 = vector.broadcast %shift_right_arithmetic3A : i32 to vector<16xi32>
    %shift_right_arithmetic3A_5 = arith.shrsi %get3A_3, %shift_right_arithmetic3A_4 : vector<16xi32>
    %shift_left3A = arith.constant 7 : i32
    %shift_left3A_6 = vector.broadcast %shift_left3A : i32 to vector<16xi32>
    %shift_left3A_7 = arith.shli %shift_right_arithmetic3A_5, %shift_left3A_6 : vector<16xi32>
    %swap3A = arith.constant 0 : index
    %swap3A_8 = tpu.vector_load %arg6[%swap3A] {strides = array<i32>} : memref<512xi32, #tpu.memory_space<vmem>>, vector<16xi32>,
    tpu.vector_store %arg6[%swap3A], %shift_left3A_7 {strides = array<i32>} : memref<512xi32, #tpu.memory_space<vmem>>, vector<16xi32>,
    %get3A_9 = arith.constant 16 : index
    %get3A_10 = tpu.vector_load %arg5[%get3A_9] {strides = array<i32>} : memref<512xi32, #tpu.memory_space<vmem>>, vector<16xi32>,
    %shift_right_arithmetic3A_11 = arith.constant 7 : i32
    %shift_right_arithmetic3A_12 = vector.broadcast %shift_right_arithmetic3A_11 : i32 to vector<16xi32>
    %shift_right_arithmetic3A_13 = arith.shrsi %get3A_10, %shift_right_arithmetic3A_12 : vector<16xi32>
    %shift_left3A_14 = arith.constant 7 : i32
    %shift_left3A_15 = vector.broadcast %shift_left3A_14 : i32 to vector<16xi32>
    %shift_left3A_16 = arith.shli %shift_right_arithmetic3A_13, %shift_left3A_15 : vector<16xi32>
    %swap3A_17 = arith.constant 16 : index
    %swap3A_18 = tpu.vector_load %arg6[%swap3A_17] {strides = array<i32>} : memref<512xi32, #tpu.memory_space<vmem>>, vector<16xi32>,
    tpu.vector_store %arg6[%swap3A_17], %shift_left3A_16 {strides = array<i32>} : memref<512xi32, #tpu.memory_space<vmem>>, vector<16xi32>,
    %get3A_19 = arith.constant 32 : index
    %get3A_20 = tpu.vector_load %arg5[%get3A_19] {strides = array<i32>} : memref<512xi32, #tpu.memory_space<vmem>>, vector<16xi32>,
    %shift_right_arithmetic3A_21 = arith.constant 7 : i32
    %shift_right_arithmetic3A_22 = vector.broadcast %shift_right_arithmetic3A_21 : i32 to vector<16xi32>
    %shift_right_arithmetic3A_23 = arith.shrsi %get3A_20, %shift_right_arithmetic3A_22 : vector<16xi32>
    %shift_left3A_24 = arith.constant 7 : i32
    %shift_left3A_25 = vector.broadcast %shift_left3A_24 : i32 to vector<16xi32>
    %shift_left3A_26 = arith.shli %shift_right_arithmetic3A_23, %shift_left3A_25 : vector<16xi32>
    %swap3A_27 = arith.constant 32 : index
    %swap3A_28 = tpu.vector_load %arg6[%swap3A_27] {strides = array<i32>} : memref<512xi32, #tpu.memory_space<vmem>>, vector<16xi32>,
    tpu.vector_store %arg6[%swap3A_27], %shift_left3A_26 {strides = array<i32>} : memref<512xi32, #tpu.memory_space<vmem>>, vector<16xi32>,
    %get3A_29 = arith.constant 48 : index
    %get3A_30 = tpu.vector_load %arg5[%get3A_29] {strides = array<i32>} : memref<512xi32, #tpu.memory_space<vmem>>, vector<16xi32>,
    %shift_right_arithmetic3A_31 = arith.constant 7 : i32
    %shift_right_arithmetic3A_32 = vector.broadcast %shift_right_arithmetic3A_31 : i32 to vector<16xi32>
    %shift_right_arithmetic3A_33 = arith.shrsi %get3A_30, %shift_right_arithmetic3A_32 : vector<16xi32>
    %shift_left3A_34 = arith.constant 7 : i32
    %shift_left3A_35 = vector.broadcast %shift_left3A_34 : i32 to vector<16xi32>
    %shift_left3A_36 = arith.shli %shift_right_arithmetic3A_33, %shift_left3A_35 : vector<16xi32>
    %swap3A_37 = arith.constant 48 : index
    %swap3A_38 = tpu.vector_load %arg6[%swap3A_37] {strides = array<i32>} : memref<512xi32, #tpu.memory_space<vmem>>, vector<16xi32>,
    tpu.vector_store %arg6[%swap3A_37], %shift_left3A_36 {strides = array<i32>} : memref<512xi32, #tpu.memory_space<vmem>>, vector<16xi32>,
    %get3A_39 = arith.constant 64 : index
    %get3A_40 = tpu.vector_load %arg5[%get3A_39] {strides = array<i32>} : memref<512xi32, #tpu.memory_space<vmem>>, vector<16xi32>,
    %shift_right_arithmetic3A_41 = arith.constant 7 : i32
    %shift_right_arithmetic3A_42 = vector.broadcast %shift_right_arithmetic3A_41 : i32 to vector<16xi32>
    %shift_right_arithmetic3A_43 = arith.shrsi %get3A_40, %shift_right_arithmetic3A_42 : vector<16xi32>
    %shift_left3A_44 = arith.constant 7 : i32
    %shift_left3A_45 = vector.broadcast %shift_left3A_44 : i32 to vector<16xi32>
    %shift_left3A_46 = arith.shli %shift_right_arithmetic3A_43, %shift_left3A_45 : vector<16xi32>
    %swap3A_47 = arith.constant 64 : index
    %swap3A_48 = tpu.vector_load %arg6[%swap3A_47] {strides = array<i32>} : memref<512xi32, #tpu.memory_space<vmem>>, vector<16xi32>,
    tpu.vector_store %arg6[%swap3A_47], %shift_left3A_46 {strides = array<i32>} : memref<512xi32, #tpu.memory_space<vmem>>, vector<16xi32>,
    %get3A_49 = arith.constant 80 : index
    %get3A_50 = tpu.vector_load %arg5[%get3A_49] {strides = array<i32>} : memref<512xi32, #tpu.memory_space<vmem>>, vector<16xi32>,
    %shift_right_arithmetic3A_51 = arith.constant 7 : i32
    %shift_right_arithmetic3A_52 = vector.broadcast %shift_right_arithmetic3A_51 : i32 to vector<16xi32>
    %shift_right_arithmetic3A_53 = arith.shrsi %get3A_50, %shift_right_arithmetic3A_52 : vector<16xi32>
    %shift_left3A_54 = arith.constant 7 : i32
    %shift_left3A_55 = vector.broadcast %shift_left3A_54 : i32 to vector<16xi32>
    %shift_left3A_56 = arith.shli %shift_right_arithmetic3A_53, %shift_left3A_55 : vector<16xi32>
    %swap3A_57 = arith.constant 80 : index
    %swap3A_58 = tpu.vector_load %arg6[%swap3A_57] {strides = array<i32>} : memref<512xi32, #tpu.memory_space<vmem>>, vector<16xi32>,
    tpu.vector_store %arg6[%swap3A_57], %shift_left3A_56 {strides = array<i32>} : memref<512xi32, #tpu.memory_space<vmem>>, vector<16xi32>,
    %get3A_59 = arith.constant 96 : index
    %get3A_60 = tpu.vector_load %arg5[%get3A_59] {strides = array<i32>} : memref<512xi32, #tpu.memory_space<vmem>>, vector<16xi32>,
    %shift_right_arithmetic3A_61 = arith.constant 7 : i32
    %shift_right_arithmetic3A_62 = vector.broadcast %shift_right_arithmetic3A_61 : i32 to vector<16xi32>
    %shift_right_arithmetic3A_63 = arith.shrsi %get3A_60, %shift_right_arithmetic3A_62 : vector<16xi32>
    %shift_left3A_64 = arith.constant 7 : i32
    %shift_left3A_65 = vector.broadcast %shift_left3A_64 : i32 to vector<16xi32>
    %shift_left3A_66 = arith.shli %shift_right_arithmetic3A_63, %shift_left3A_65 : vector<16xi32>
    %swap3A_67 = arith.constant 96 : index
    %swap3A_68 = tpu.vector_load %arg6[%swap3A_67] {strides = array<i32>} : memref<512xi32, #tpu.memory_space<vmem>>, vector<16xi32>,
    tpu.vector_store %arg6[%swap3A_67], %shift_left3A_66 {strides = array<i32>} : memref<512xi32, #tpu.memory_space<vmem>>, vector<16xi32>,
    %get3A_69 = arith.constant 112 : index
    %get3A_70 = tpu.vector_load %arg5[%get3A_69] {strides = array<i32>} : memref<512xi32, #tpu.memory_space<vmem>>, vector<16xi32>,
    %shift_right_arithmetic3A_71 = arith.constant 7 : i32
    %shift_right_arithmetic3A_72 = vector.broadcast %shift_right_arithmetic3A_71 : i32 to vector<16xi32>
    %shift_right_arithmetic3A_73 = arith.shrsi %get3A_70, %shift_right_arithmetic3A_72 : vector<16xi32>
    %shift_left3A_74 = arith.constant 7 : i32
    %shift_left3A_75 = vector.broadcast %shift_left3A_74 : i32 to vector<16xi32>
    %shift_left3A_76 = arith.shli %shift_right_arithmetic3A_73, %shift_left3A_75 : vector<16xi32>
    %swap3A_77 = arith.constant 112 : index
    %swap3A_78 = tpu.vector_load %arg6[%swap3A_77] {strides = array<i32>} : memref<512xi32, #tpu.memory_space<vmem>>, vector<16xi32>,
    tpu.vector_store %arg6[%swap3A_77], %shift_left3A_76 {strides = array<i32>} : memref<512xi32, #tpu.memory_space<vmem>>, vector<16xi32>,
    %get3A_79 = arith.constant 128 : index
    %get3A_80 = tpu.vector_load %arg5[%get3A_79] {strides = array<i32>} : memref<512xi32, #tpu.memory_space<vmem>>, vector<16xi32>,
    %shift_right_arithmetic3A_81 = arith.constant 7 : i32
    %shift_right_arithmetic3A_82 = vector.broadcast %shift_right_arithmetic3A_81 : i32 to vector<16xi32>
    %shift_right_arithmetic3A_83 = arith.shrsi %get3A_80, %shift_right_arithmetic3A_82 : vector<16xi32>
    %shift_left3A_84 = arith.constant 7 : i32
    %shift_left3A_85 = vector.broadcast %shift_left3A_84 : i32 to vector<16xi32>
    %shift_left3A_86 = arith.shli %shift_right_arithmetic3A_83, %shift_left3A_85 : vector<16xi32>
    %swap3A_87 = arith.constant 128 : index
    %swap3A_88 = tpu.vector_load %arg6[%swap3A_87] {strides = array<i32>} : memref<512xi32, #tpu.memory_space<vmem>>, vector<16xi32>,
    tpu.vector_store %arg6[%swap3A_87], %shift_left3A_86 {strides = array<i32>} : memref<512xi32, #tpu.memory_space<vmem>>, vector<16xi32>,
    %get3A_89 = arith.constant 144 : index
    %get3A_90 = tpu.vector_load %arg5[%get3A_89] {strides = array<i32>} : memref<512xi32, #tpu.memory_space<vmem>>, vector<16xi32>,
    %shift_right_arithmetic3A_91 = arith.constant 7 : i32
    %shift_right_arithmetic3A_92 = vector.broadcast %shift_right_arithmetic3A_91 : i32 to vector<16xi32>
    %shift_right_arithmetic3A_93 = arith.shrsi %get3A_90, %shift_right_arithmetic3A_92 : vector<16xi32>
    %shift_left3A_94 = arith.constant 7 : i32
    %shift_left3A_95 = vector.broadcast %shift_left3A_94 : i32 to vector<16xi32>
    %shift_left3A_96 = arith.shli %shift_right_arithmetic3A_93, %shift_left3A_95 : vector<16xi32>
    %swap3A_97 = arith.constant 144 : index
    %swap3A_98 = tpu.vector_load %arg6[%swap3A_97] {strides = array<i32>} : memref<512xi32, #tpu.memory_space<vmem>>, vector<16xi32>,
    tpu.vector_store %arg6[%swap3A_97], %shift_left3A_96 {strides = array<i32>} : memref<512xi32, #tpu.memory_space<vmem>>, vector<16xi32>,
    %get3A_99 = arith.constant 160 : index
    %get3A_100 = tpu.vector_load %arg5[%get3A_99] {strides = array<i32>} : memref<512xi32, #tpu.memory_space<vmem>>, vector<16xi32>,
    %shift_right_arithmetic3A_101 = arith.constant 7 : i32
    %shift_right_arithmetic3A_102 = vector.broadcast %shift_right_arithmetic3A_101 : i32 to vector<16xi32>
    %shift_right_arithmetic3A_103 = arith.shrsi %get3A_100, %shift_right_arithmetic3A_102 : vector<16xi32>
    %shift_left3A_104 = arith.constant 7 : i32
    %shift_left3A_105 = vector.broadcast %shift_left3A_104 : i32 to vector<16xi32>
    %shift_left3A_106 = arith.shli %shift_right_arithmetic3A_103, %shift_left3A_105 : vector<16xi32>
    %swap3A_107 = arith.constant 160 : index
    %swap3A_108 = tpu.vector_load %arg6[%swap3A_107] {strides = array<i32>} : memref<512xi32, #tpu.memory_space<vmem>>, vector<16xi32>,
    tpu.vector_store %arg6[%swap3A_107], %shift_left3A_106 {strides = array<i32>} : memref<512xi32, #tpu.memory_space<vmem>>, vector<16xi32>,
    %get3A_109 = arith.constant 176 : index
    %get3A_110 = tpu.vector_load %arg5[%get3A_109] {strides = array<i32>} : memref<512xi32, #tpu.memory_space<vmem>>, vector<16xi32>,
    %shift_right_arithmetic3A_111 = arith.constant 7 : i32
    %shift_right_arithmetic3A_112 = vector.broadcast %shift_right_arithmetic3A_111 : i32 to vector<16xi32>
    %shift_right_arithmetic3A_113 = arith.shrsi %get3A_110, %shift_right_arithmetic3A_112 : vector<16xi32>
    %shift_left3A_114 = arith.constant 7 : i32
    %shift_left3A_115 = vector.broadcast %shift_left3A_114 : i32 to vector<16xi32>
    %shift_left3A_116 = arith.shli %shift_right_arithmetic3A_113, %shift_left3A_115 : vector<16xi32>
    %swap3A_117 = arith.constant 176 : index
    %swap3A_118 = tpu.vector_load %arg6[%swap3A_117] {strides = array<i32>} : memref<512xi32, #tpu.memory_space<vmem>>, vector<16xi32>,
    tpu.vector_store %arg6[%swap3A_117], %shift_left3A_116 {strides = array<i32>} : memref<512xi32, #tpu.memory_space<vmem>>, vector<16xi32>,
    %get3A_119 = arith.constant 192 : index
    %get3A_120 = tpu.vector_load %arg5[%get3A_119] {strides = array<i32>} : memref<512xi32, #tpu.memory_space<vmem>>, vector<16xi32>,
    %shift_right_arithmetic3A_121 = arith.constant 7 : i32
    %shift_right_arithmetic3A_122 = vector.broadcast %shift_right_arithmetic3A_121 : i32 to vector<16xi32>
    %shift_right_arithmetic3A_123 = arith.shrsi %get3A_120, %shift_right_arithmetic3A_122 : vector<16xi32>
    %shift_left3A_124 = arith.constant 7 : i32
    %shift_left3A_125 = vector.broadcast %shift_left3A_124 : i32 to vector<16xi32>
    %shift_left3A_126 = arith.shli %shift_right_arithmetic3A_123, %shift_left3A_125 : vector<16xi32>
    %swap3A_127 = arith.constant 192 : index
    %swap3A_128 = tpu.vector_load %arg6[%swap3A_127] {strides = array<i32>} : memref<512xi32, #tpu.memory_space<vmem>>, vector<16xi32>,
    tpu.vector_store %arg6[%swap3A_127], %shift_left3A_126 {strides = array<i32>} : memref<512xi32, #tpu.memory_space<vmem>>, vector<16xi32>,
    %get3A_129 = arith.constant 208 : index
    %get3A_130 = tpu.vector_load %arg5[%get3A_129] {strides = array<i32>} : memref<512xi32, #tpu.memory_space<vmem>>, vector<16xi32>,
    %shift_right_arithmetic3A_131 = arith.constant 7 : i32
    %shift_right_arithmetic3A_132 = vector.broadcast %shift_right_arithmetic3A_131 : i32 to vector<16xi32>
    %shift_right_arithmetic3A_133 = arith.shrsi %get3A_130, %shift_right_arithmetic3A_132 : vector<16xi32>
    %shift_left3A_134 = arith.constant 7 : i32
    %shift_left3A_135 = vector.broadcast %shift_left3A_134 : i32 to vector<16xi32>
    %shift_left3A_136 = arith.shli %shift_right_arithmetic3A_133, %shift_left3A_135 : vector<16xi32>
    %swap3A_137 = arith.constant 208 : index
    %swap3A_138 = tpu.vector_load %arg6[%swap3A_137] {strides = array<i32>} : memref<512xi32, #tpu.memory_space<vmem>>, vector<16xi32>,
    tpu.vector_store %arg6[%swap3A_137], %shift_left3A_136 {strides = array<i32>} : memref<512xi32, #tpu.memory_space<vmem>>, vector<16xi32>,
    %get3A_139 = arith.constant 224 : index
    %get3A_140 = tpu.vector_load %arg5[%get3A_139] {strides = array<i32>} : memref<512xi32, #tpu.memory_space<vmem>>, vector<16xi32>,
    %shift_right_arithmetic3A_141 = arith.constant 7 : i32
    %shift_right_arithmetic3A_142 = vector.broadcast %shift_right_arithmetic3A_141 : i32 to vector<16xi32>
    %shift_right_arithmetic3A_143 = arith.shrsi %get3A_140, %shift_right_arithmetic3A_142 : vector<16xi32>
    %shift_left3A_144 = arith.constant 7 : i32
    %shift_left3A_145 = vector.broadcast %shift_left3A_144 : i32 to vector<16xi32>
    %shift_left3A_146 = arith.shli %shift_right_arithmetic3A_143, %shift_left3A_145 : vector<16xi32>
    %swap3A_147 = arith.constant 224 : index
    %swap3A_148 = tpu.vector_load %arg6[%swap3A_147] {strides = array<i32>} : memref<512xi32, #tpu.memory_space<vmem>>, vector<16xi32>,
    tpu.vector_store %arg6[%swap3A_147], %shift_left3A_146 {strides = array<i32>} : memref<512xi32, #tpu.memory_space<vmem>>, vector<16xi32>,
    %get3A_149 = arith.constant 240 : index
    %get3A_150 = tpu.vector_load %arg5[%get3A_149] {strides = array<i32>} : memref<512xi32, #tpu.memory_space<vmem>>, vector<16xi32>,
    %shift_right_arithmetic3A_151 = arith.constant 7 : i32
    %shift_right_arithmetic3A_152 = vector.broadcast %shift_right_arithmetic3A_151 : i32 to vector<16xi32>
    %shift_right_arithmetic3A_153 = arith.shrsi %get3A_150, %shift_right_arithmetic3A_152 : vector<16xi32>
    %shift_left3A_154 = arith.constant 7 : i32
    %shift_left3A_155 = vector.broadcast %shift_left3A_154 : i32 to vector<16xi32>
    %shift_left3A_156 = arith.shli %shift_right_arithmetic3A_153, %shift_left3A_155 : vector<16xi32>
    %swap3A_157 = arith.constant 240 : index
    %swap3A_158 = tpu.vector_load %arg6[%swap3A_157] {strides = array<i32>} : memref<512xi32, #tpu.memory_space<vmem>>, vector<16xi32>,
    tpu.vector_store %arg6[%swap3A_157], %shift_left3A_156 {strides = array<i32>} : memref<512xi32, #tpu.memory_space<vmem>>, vector<16xi32>,
    %get3A_159 = arith.constant 256 : index
    %get3A_160 = tpu.vector_load %arg5[%get3A_159] {strides = array<i32>} : memref<512xi32, #tpu.memory_space<vmem>>, vector<16xi32>,
    %shift_right_arithmetic3A_161 = arith.constant 7 : i32
    %shift_right_arithmetic3A_162 = vector.broadcast %shift_right_arithmetic3A_161 : i32 to vector<16xi32>
    %shift_right_arithmetic3A_163 = arith.shrsi %get3A_160, %shift_right_arithmetic3A_162 : vector<16xi32>
    %shift_left3A_164 = arith.constant 7 : i32
    %shift_left3A_165 = vector.broadcast %shift_left3A_164 : i32 to vector<16xi32>
    %shift_left3A_166 = arith.shli %shift_right_arithmetic3A_163, %shift_left3A_165 : vector<16xi32>
    %swap3A_167 = arith.constant 256 : index
    %swap3A_168 = tpu.vector_load %arg6[%swap3A_167] {strides = array<i32>} : memref<512xi32, #tpu.memory_space<vmem>>, vector<16xi32>,
    tpu.vector_store %arg6[%swap3A_167], %shift_left3A_166 {strides = array<i32>} : memref<512xi32, #tpu.memory_space<vmem>>, vector<16xi32>,
    %get3A_169 = arith.constant 272 : index
    %get3A_170 = tpu.vector_load %arg5[%get3A_169] {strides = array<i32>} : memref<512xi32, #tpu.memory_space<vmem>>, vector<16xi32>,
    %shift_right_arithmetic3A_171 = arith.constant 7 : i32
    %shift_right_arithmetic3A_172 = vector.broadcast %shift_right_arithmetic3A_171 : i32 to vector<16xi32>
    %shift_right_arithmetic3A_173 = arith.shrsi %get3A_170, %shift_right_arithmetic3A_172 : vector<16xi32>
    %shift_left3A_174 = arith.constant 7 : i32
    %shift_left3A_175 = vector.broadcast %shift_left3A_174 : i32 to vector<16xi32>
    %shift_left3A_176 = arith.shli %shift_right_arithmetic3A_173, %shift_left3A_175 : vector<16xi32>
    %swap3A_177 = arith.constant 272 : index
    %swap3A_178 = tpu.vector_load %arg6[%swap3A_177] {strides = array<i32>} : memref<512xi32, #tpu.memory_space<vmem>>, vector<16xi32>,
    tpu.vector_store %arg6[%swap3A_177], %shift_left3A_176 {strides = array<i32>} : memref<512xi32, #tpu.memory_space<vmem>>, vector<16xi32>,
    %get3A_179 = arith.constant 288 : index
    %get3A_180 = tpu.vector_load %arg5[%get3A_179] {strides = array<i32>} : memref<512xi32, #tpu.memory_space<vmem>>, vector<16xi32>,
    %shift_right_arithmetic3A_181 = arith.constant 7 : i32
    %shift_right_arithmetic3A_182 = vector.broadcast %shift_right_arithmetic3A_181 : i32 to vector<16xi32>
    %shift_right_arithmetic3A_183 = arith.shrsi %get3A_180, %shift_right_arithmetic3A_182 : vector<16xi32>
    %shift_left3A_184 = arith.constant 7 : i32
    %shift_left3A_185 = vector.broadcast %shift_left3A_184 : i32 to vector<16xi32>
    %shift_left3A_186 = arith.shli %shift_right_arithmetic3A_183, %shift_left3A_185 : vector<16xi32>
    %swap3A_187 = arith.constant 288 : index
    %swap3A_188 = tpu.vector_load %arg6[%swap3A_187] {strides = array<i32>} : memref<512xi32, #tpu.memory_space<vmem>>, vector<16xi32>,
    tpu.vector_store %arg6[%swap3A_187], %shift_left3A_186 {strides = array<i32>} : memref<512xi32, #tpu.memory_space<vmem>>, vector<16xi32>,
    %get3A_189 = arith.constant 304 : index
    %get3A_190 = tpu.vector_load %arg5[%get3A_189] {strides = array<i32>} : memref<512xi32, #tpu.memory_space<vmem>>, vector<16xi32>,
    %shift_right_arithmetic3A_191 = arith.constant 7 : i32
    %shift_right_arithmetic3A_192 = vector.broadcast %shift_right_arithmetic3A_191 : i32 to vector<16xi32>
    %shift_right_arithmetic3A_193 = arith.shrsi %get3A_190, %shift_right_arithmetic3A_192 : vector<16xi32>
    %shift_left3A_194 = arith.constant 7 : i32
    %shift_left3A_195 = vector.broadcast %shift_left3A_194 : i32 to vector<16xi32>
    %shift_left3A_196 = arith.shli %shift_right_arithmetic3A_193, %shift_left3A_195 : vector<16xi32>
    %swap3A_197 = arith.constant 304 : index
    %swap3A_198 = tpu.vector_load %arg6[%swap3A_197] {strides = array<i32>} : memref<512xi32, #tpu.memory_space<vmem>>, vector<16xi32>,
    tpu.vector_store %arg6[%swap3A_197], %shift_left3A_196 {strides = array<i32>} : memref<512xi32, #tpu.memory_space<vmem>>, vector<16xi32>,
    %get3A_199 = arith.constant 320 : index
    %get3A_200 = tpu.vector_load %arg5[%get3A_199] {strides = array<i32>} : memref<512xi32, #tpu.memory_space<vmem>>, vector<16xi32>,
    %shift_right_arithmetic3A_201 = arith.constant 7 : i32
    %shift_right_arithmetic3A_202 = vector.broadcast %shift_right_arithmetic3A_201 : i32 to vector<16xi32>
    %shift_right_arithmetic3A_203 = arith.shrsi %get3A_200, %shift_right_arithmetic3A_202 : vector<16xi32>
    %shift_left3A_204 = arith.constant 7 : i32
    %shift_left3A_205 = vector.broadcast %shift_left3A_204 : i32 to vector<16xi32>
    %shift_left3A_206 = arith.shli %shift_right_arithmetic3A_203, %shift_left3A_205 : vector<16xi32>
    %swap3A_207 = arith.constant 320 : index
    %swap3A_208 = tpu.vector_load %arg6[%swap3A_207] {strides = array<i32>} : memref<512xi32, #tpu.memory_space<vmem>>, vector<16xi32>,
    tpu.vector_store %arg6[%swap3A_207], %shift_left3A_206 {strides = array<i32>} : memref<512xi32, #tpu.memory_space<vmem>>, vector<16xi32>,
    %get3A_209 = arith.constant 336 : index
    %get3A_210 = tpu.vector_load %arg5[%get3A_209] {strides = array<i32>} : memref<512xi32, #tpu.memory_space<vmem>>, vector<16xi32>,
    %shift_right_arithmetic3A_211 = arith.constant 7 : i32
    %shift_right_arithmetic3A_212 = vector.broadcast %shift_right_arithmetic3A_211 : i32 to vector<16xi32>
    %shift_right_arithmetic3A_213 = arith.shrsi %get3A_210, %shift_right_arithmetic3A_212 : vector<16xi32>
    %shift_left3A_214 = arith.constant 7 : i32
    %shift_left3A_215 = vector.broadcast %shift_left3A_214 : i32 to vector<16xi32>
    %shift_left3A_216 = arith.shli %shift_right_arithmetic3A_213, %shift_left3A_215 : vector<16xi32>
    %swap3A_217 = arith.constant 336 : index
    %swap3A_218 = tpu.vector_load %arg6[%swap3A_217] {strides = array<i32>} : memref<512xi32, #tpu.memory_space<vmem>>, vector<16xi32>,
    tpu.vector_store %arg6[%swap3A_217], %shift_left3A_216 {strides = array<i32>} : memref<512xi32, #tpu.memory_space<vmem>>, vector<16xi32>,
    %get3A_219 = arith.constant 352 : index
    %get3A_220 = tpu.vector_load %arg5[%get3A_219] {strides = array<i32>} : memref<512xi32, #tpu.memory_space<vmem>>, vector<16xi32>,
    %shift_right_arithmetic3A_221 = arith.constant 7 : i32
    %shift_right_arithmetic3A_222 = vector.broadcast %shift_right_arithmetic3A_221 : i32 to vector<16xi32>
    %shift_right_arithmetic3A_223 = arith.shrsi %get3A_220, %shift_right_arithmetic3A_222 : vector<16xi32>
    %shift_left3A_224 = arith.constant 7 : i32
    %shift_left3A_225 = vector.broadcast %shift_left3A_224 : i32 to vector<16xi32>
    %shift_left3A_226 = arith.shli %shift_right_arithmetic3A_223, %shift_left3A_225 : vector<16xi32>
    %swap3A_227 = arith.constant 352 : index
    %swap3A_228 = tpu.vector_load %arg6[%swap3A_227] {strides = array<i32>} : memref<512xi32, #tpu.memory_space<vmem>>, vector<16xi32>,
    tpu.vector_store %arg6[%swap3A_227], %shift_left3A_226 {strides = array<i32>} : memref<512xi32, #tpu.memory_space<vmem>>, vector<16xi32>,
    %get3A_229 = arith.constant 368 : index
    %get3A_230 = tpu.vector_load %arg5[%get3A_229] {strides = array<i32>} : memref<512xi32, #tpu.memory_space<vmem>>, vector<16xi32>,
    %shift_right_arithmetic3A_231 = arith.constant 7 : i32
    %shift_right_arithmetic3A_232 = vector.broadcast %shift_right_arithmetic3A_231 : i32 to vector<16xi32>
    %shift_right_arithmetic3A_233 = arith.shrsi %get3A_230, %shift_right_arithmetic3A_232 : vector<16xi32>
    %shift_left3A_234 = arith.constant 7 : i32
    %shift_left3A_235 = vector.broadcast %shift_left3A_234 : i32 to vector<16xi32>
    %shift_left3A_236 = arith.shli %shift_right_arithmetic3A_233, %shift_left3A_235 : vector<16xi32>
    %swap3A_237 = arith.constant 368 : index
    %swap3A_238 = tpu.vector_load %arg6[%swap3A_237] {strides = array<i32>} : memref<512xi32, #tpu.memory_space<vmem>>, vector<16xi32>,
    tpu.vector_store %arg6[%swap3A_237], %shift_left3A_236 {strides = array<i32>} : memref<512xi32, #tpu.memory_space<vmem>>, vector<16xi32>,
    %get3A_239 = arith.constant 384 : index
    %get3A_240 = tpu.vector_load %arg5[%get3A_239] {strides = array<i32>} : memref<512xi32, #tpu.memory_space<vmem>>, vector<16xi32>,
    %shift_right_arithmetic3A_241 = arith.constant 7 : i32
    %shift_right_arithmetic3A_242 = vector.broadcast %shift_right_arithmetic3A_241 : i32 to vector<16xi32>
    %shift_right_arithmetic3A_243 = arith.shrsi %get3A_240, %shift_right_arithmetic3A_242 : vector<16xi32>
    %shift_left3A_244 = arith.constant 7 : i32
    %shift_left3A_245 = vector.broadcast %shift_left3A_244 : i32 to vector<16xi32>
    %shift_left3A_246 = arith.shli %shift_right_arithmetic3A_243, %shift_left3A_245 : vector<16xi32>
    %swap3A_247 = arith.constant 384 : index
    %swap3A_248 = tpu.vector_load %arg6[%swap3A_247] {strides = array<i32>} : memref<512xi32, #tpu.memory_space<vmem>>, vector<16xi32>,
    tpu.vector_store %arg6[%swap3A_247], %shift_left3A_246 {strides = array<i32>} : memref<512xi32, #tpu.memory_space<vmem>>, vector<16xi32>,
    %get3A_249 = arith.constant 400 : index
    %get3A_250 = tpu.vector_load %arg5[%get3A_249] {strides = array<i32>} : memref<512xi32, #tpu.memory_space<vmem>>, vector<16xi32>,
    %shift_right_arithmetic3A_251 = arith.constant 7 : i32
    %shift_right_arithmetic3A_252 = vector.broadcast %shift_right_arithmetic3A_251 : i32 to vector<16xi32>
    %shift_right_arithmetic3A_253 = arith.shrsi %get3A_250, %shift_right_arithmetic3A_252 : vector<16xi32>
    %shift_left3A_254 = arith.constant 7 : i32
    %shift_left3A_255 = vector.broadcast %shift_left3A_254 : i32 to vector<16xi32>
    %shift_left3A_256 = arith.shli %shift_right_arithmetic3A_253, %shift_left3A_255 : vector<16xi32>
    %swap3A_257 = arith.constant 400 : index
    %swap3A_258 = tpu.vector_load %arg6[%swap3A_257] {strides = array<i32>} : memref<512xi32, #tpu.memory_space<vmem>>, vector<16xi32>,
    tpu.vector_store %arg6[%swap3A_257], %shift_left3A_256 {strides = array<i32>} : memref<512xi32, #tpu.memory_space<vmem>>, vector<16xi32>,
    %get3A_259 = arith.constant 416 : index
    %get3A_260 = tpu.vector_load %arg5[%get3A_259] {strides = array<i32>} : memref<512xi32, #tpu.memory_space<vmem>>, vector<16xi32>,
    %shift_right_arithmetic3A_261 = arith.constant 7 : i32
    %shift_right_arithmetic3A_262 = vector.broadcast %shift_right_arithmetic3A_261 : i32 to vector<16xi32>
    %shift_right_arithmetic3A_263 = arith.shrsi %get3A_260, %shift_right_arithmetic3A_262 : vector<16xi32>
    %shift_left3A_264 = arith.constant 7 : i32
    %shift_left3A_265 = vector.broadcast %shift_left3A_264 : i32 to vector<16xi32>
    %shift_left3A_266 = arith.shli %shift_right_arithmetic3A_263, %shift_left3A_265 : vector<16xi32>
    %swap3A_267 = arith.constant 416 : index
    %swap3A_268 = tpu.vector_load %arg6[%swap3A_267] {strides = array<i32>} : memref<512xi32, #tpu.memory_space<vmem>>, vector<16xi32>,
    tpu.vector_store %arg6[%swap3A_267], %shift_left3A_266 {strides = array<i32>} : memref<512xi32, #tpu.memory_space<vmem>>, vector<16xi32>,
    %get3A_269 = arith.constant 432 : index
    %get3A_270 = tpu.vector_load %arg5[%get3A_269] {strides = array<i32>} : memref<512xi32, #tpu.memory_space<vmem>>, vector<16xi32>,
    %shift_right_arithmetic3A_271 = arith.constant 7 : i32
    %shift_right_arithmetic3A_272 = vector.broadcast %shift_right_arithmetic3A_271 : i32 to vector<16xi32>
    %shift_right_arithmetic3A_273 = arith.shrsi %get3A_270, %shift_right_arithmetic3A_272 : vector<16xi32>
    %shift_left3A_274 = arith.constant 7 : i32
    %shift_left3A_275 = vector.broadcast %shift_left3A_274 : i32 to vector<16xi32>
    %shift_left3A_276 = arith.shli %shift_right_arithmetic3A_273, %shift_left3A_275 : vector<16xi32>
    %swap3A_277 = arith.constant 432 : index
    %swap3A_278 = tpu.vector_load %arg6[%swap3A_277] {strides = array<i32>} : memref<512xi32, #tpu.memory_space<vmem>>, vector<16xi32>,
    tpu.vector_store %arg6[%swap3A_277], %shift_left3A_276 {strides = array<i32>} : memref<512xi32, #tpu.memory_space<vmem>>, vector<16xi32>,
    %get3A_279 = arith.constant 448 : index
    %get3A_280 = tpu.vector_load %arg5[%get3A_279] {strides = array<i32>} : memref<512xi32, #tpu.memory_space<vmem>>, vector<16xi32>,
    %shift_right_arithmetic3A_281 = arith.constant 7 : i32
    %shift_right_arithmetic3A_282 = vector.broadcast %shift_right_arithmetic3A_281 : i32 to vector<16xi32>
    %shift_right_arithmetic3A_283 = arith.shrsi %get3A_280, %shift_right_arithmetic3A_282 : vector<16xi32>
    %shift_left3A_284 = arith.constant 7 : i32
    %shift_left3A_285 = vector.broadcast %shift_left3A_284 : i32 to vector<16xi32>
    %shift_left3A_286 = arith.shli %shift_right_arithmetic3A_283, %shift_left3A_285 : vector<16xi32>
    %swap3A_287 = arith.constant 448 : index
    %swap3A_288 = tpu.vector_load %arg6[%swap3A_287] {strides = array<i32>} : memref<512xi32, #tpu.memory_space<vmem>>, vector<16xi32>,
    tpu.vector_store %arg6[%swap3A_287], %shift_left3A_286 {strides = array<i32>} : memref<512xi32, #tpu.memory_space<vmem>>, vector<16xi32>,
    %get3A_289 = arith.constant 464 : index
    %get3A_290 = tpu.vector_load %arg5[%get3A_289] {strides = array<i32>} : memref<512xi32, #tpu.memory_space<vmem>>, vector<16xi32>,
    %shift_right_arithmetic3A_291 = arith.constant 7 : i32
    %shift_right_arithmetic3A_292 = vector.broadcast %shift_right_arithmetic3A_291 : i32 to vector<16xi32>
    %shift_right_arithmetic3A_293 = arith.shrsi %get3A_290, %shift_right_arithmetic3A_292 : vector<16xi32>
    %shift_left3A_294 = arith.constant 7 : i32
    %shift_left3A_295 = vector.broadcast %shift_left3A_294 : i32 to vector<16xi32>
    %shift_left3A_296 = arith.shli %shift_right_arithmetic3A_293, %shift_left3A_295 : vector<16xi32>
    %swap3A_297 = arith.constant 464 : index
    %swap3A_298 = tpu.vector_load %arg6[%swap3A_297] {strides = array<i32>} : memref<512xi32, #tpu.memory_space<vmem>>, vector<16xi32>,
    tpu.vector_store %arg6[%swap3A_297], %shift_left3A_296 {strides = array<i32>} : memref<512xi32, #tpu.memory_space<vmem>>, vector<16xi32>,
    %get3A_299 = arith.constant 480 : index
    %get3A_300 = tpu.vector_load %arg5[%get3A_299] {strides = array<i32>} : memref<512xi32, #tpu.memory_space<vmem>>, vector<16xi32>,
    %shift_right_arithmetic3A_301 = arith.constant 7 : i32
    %shift_right_arithmetic3A_302 = vector.broadcast %shift_right_arithmetic3A_301 : i32 to vector<16xi32>
    %shift_right_arithmetic3A_303 = arith.shrsi %get3A_300, %shift_right_arithmetic3A_302 : vector<16xi32>
    %shift_left3A_304 = arith.constant 7 : i32
    %shift_left3A_305 = vector.broadcast %shift_left3A_304 : i32 to vector<16xi32>
    %shift_left3A_306 = arith.shli %shift_right_arithmetic3A_303, %shift_left3A_305 : vector<16xi32>
    %swap3A_307 = arith.constant 480 : index
    %swap3A_308 = tpu.vector_load %arg6[%swap3A_307] {strides = array<i32>} : memref<512xi32, #tpu.memory_space<vmem>>, vector<16xi32>,
    tpu.vector_store %arg6[%swap3A_307], %shift_left3A_306 {strides = array<i32>} : memref<512xi32, #tpu.memory_space<vmem>>, vector<16xi32>,
    %get3A_309 = arith.constant 496 : index
    %get3A_310 = tpu.vector_load %arg5[%get3A_309] {strides = array<i32>} : memref<512xi32, #tpu.memory_space<vmem>>, vector<16xi32>,
    %shift_right_arithmetic3A_311 = arith.constant 7 : i32
    %shift_right_arithmetic3A_312 = vector.broadcast %shift_right_arithmetic3A_311 : i32 to vector<16xi32>
    %shift_right_arithmetic3A_313 = arith.shrsi %get3A_310, %shift_right_arithmetic3A_312 : vector<16xi32>
    %shift_left3A_314 = arith.constant 7 : i32
    %shift_left3A_315 = vector.broadcast %shift_left3A_314 : i32 to vector<16xi32>
    %shift_left3A_316 = arith.shli %shift_right_arithmetic3A_313, %shift_left3A_315 : vector<16xi32>
    %swap3A_317 = arith.constant 496 : index
    %swap3A_318 = tpu.vector_load %arg6[%swap3A_317] {strides = array<i32>} : memref<512xi32, #tpu.memory_space<vmem>>, vector<16xi32>,
    tpu.vector_store %arg6[%swap3A_317], %shift_left3A_316 {strides = array<i32>} : memref<512xi32, #tpu.memory_space<vmem>>, vector<16xi32>,
    %get3A_319 = arith.constant 0 : index
    %get3A_320 = tpu.vector_load %arg6[%get3A_319] {strides = array<i32>} : memref<512xi32, #tpu.memory_space<vmem>>, vector<16xi32>,
    %slice3A = vector.extract_strided_slice %get3A_320 {offsets = [0], sizes = [1], strides = [1]} : vector<16xi32> to vector<1xi32>
    %squeeze3A = vector.extract %slice3A[0] : i32 from vector<1xi32>
    %slice3A_321 = vector.extract_strided_slice %get3A_320 {offsets = [1], sizes = [1], strides = [1]} : vector<16xi32> to vector<1xi32>
    %squeeze3A_322 = vector.extract %slice3A_321[0] : i32 from vector<1xi32>
    %slice3A_323 = vector.extract_strided_slice %get3A_320 {offsets = [2], sizes = [1], strides = [1]} : vector<16xi32> to vector<1xi32>
    %squeeze3A_324 = vector.extract %slice3A_323[0] : i32 from vector<1xi32>
    %slice3A_325 = vector.extract_strided_slice %get3A_320 {offsets = [3], sizes = [1], strides = [1]} : vector<16xi32> to vector<1xi32>
    %squeeze3A_326 = vector.extract %slice3A_325[0] : i32 from vector<1xi32>
    %slice3A_327 = vector.extract_strided_slice %get3A_320 {offsets = [4], sizes = [1], strides = [1]} : vector<16xi32> to vector<1xi32>
    %squeeze3A_328 = vector.extract %slice3A_327[0] : i32 from vector<1xi32>
    %slice3A_329 = vector.extract_strided_slice %get3A_320 {offsets = [5], sizes = [1], strides = [1]} : vector<16xi32> to vector<1xi32>
    %squeeze3A_330 = vector.extract %slice3A_329[0] : i32 from vector<1xi32>
    %slice3A_331 = vector.extract_strided_slice %get3A_320 {offsets = [6], sizes = [1], strides = [1]} : vector<16xi32> to vector<1xi32>
    %squeeze3A_332 = vector.extract %slice3A_331[0] : i32 from vector<1xi32>
    %slice3A_333 = vector.extract_strided_slice %get3A_320 {offsets = [7], sizes = [1], strides = [1]} : vector<16xi32> to vector<1xi32>
    %squeeze3A_334 = vector.extract %slice3A_333[0] : i32 from vector<1xi32>
    %slice3A_335 = vector.extract_strided_slice %get3A_320 {offsets = [8], sizes = [1], strides = [1]} : vector<16xi32> to vector<1xi32>
    %squeeze3A_336 = vector.extract %slice3A_335[0] : i32 from vector<1xi32>
    %slice3A_337 = vector.extract_strided_slice %get3A_320 {offsets = [9], sizes = [1], strides = [1]} : vector<16xi32> to vector<1xi32>
    %squeeze3A_338 = vector.extract %slice3A_337[0] : i32 from vector<1xi32>
    %slice3A_339 = vector.extract_strided_slice %get3A_320 {offsets = [10], sizes = [1], strides = [1]} : vector<16xi32> to vector<1xi32>
    %squeeze3A_340 = vector.extract %slice3A_339[0] : i32 from vector<1xi32>
    %slice3A_341 = vector.extract_strided_slice %get3A_320 {offsets = [11], sizes = [1], strides = [1]} : vector<16xi32> to vector<1xi32>
    %squeeze3A_342 = vector.extract %slice3A_341[0] : i32 from vector<1xi32>
    %slice3A_343 = vector.extract_strided_slice %get3A_320 {offsets = [12], sizes = [1], strides = [1]} : vector<16xi32> to vector<1xi32>
    %squeeze3A_344 = vector.extract %slice3A_343[0] : i32 from vector<1xi32>
    %slice3A_345 = vector.extract_strided_slice %get3A_320 {offsets = [13], sizes = [1], strides = [1]} : vector<16xi32> to vector<1xi32>
    %squeeze3A_346 = vector.extract %slice3A_345[0] : i32 from vector<1xi32>
    %slice3A_347 = vector.extract_strided_slice %get3A_320 {offsets = [14], sizes = [1], strides = [1]} : vector<16xi32> to vector<1xi32>
    %squeeze3A_348 = vector.extract %slice3A_347[0] : i32 from vector<1xi32>
    %slice3A_349 = vector.extract_strided_slice %get3A_320 {offsets = [15], sizes = [1], strides = [1]} : vector<16xi32> to vector<1xi32>
    %squeeze3A_350 = vector.extract %slice3A_349[0] : i32 from vector<1xi32>
    %multiple_of3A = tpu.assume_multiple %squeeze3A, 128 : i32
    %dma_start3A = arith.constant 0 : i32
    %dma_start3A_351 = arith.constant 0 : i32
    %dma_start3A_352 = tpu.memref_slice %arg7[%dma_start3A, %dma_start3A_351] : memref<16x4096xf32, #tpu.memory_space<vmem>> -> memref<16x128xf32, #tpu.memory_space<vmem>>
    %dma_start3A_353 = arith.constant 0 : i32
    %dma_start3A_354 = tpu.memref_slice %arg3[%dma_start3A_353, %multiple_of3A] : memref<16x1000000xf32, #tpu.memory_space<hbm>> -> memref<16x128xf32, #tpu.memory_space<hbm>>
    %dma_start3A_355 = arith.constant 0 : i32
    %dma_start3A_356 = arith.constant 0 : i32
    %dma_start3A_357 = tpu.memref_slice %arg7[%dma_start3A_355, %dma_start3A_356] : memref<16x4096xf32, #tpu.memory_space<vmem>> -> memref<16x128xf32, #tpu.memory_space<vmem>>
    %dma_start3A_358 = arith.constant 0 : i32
    %dma_start3A_359 = tpu.memref_slice %arg3[%dma_start3A_358, %multiple_of3A] : memref<16x1000000xf32, #tpu.memory_space<hbm>> -> memref<16x128xf32, #tpu.memory_space<hbm>>
    tpu.enqueue_dma source(%dma_start3A_359 : memref<16x128xf32, #tpu.memory_space<hbm>>) target(%dma_start3A_357 : memref<16x128xf32, #tpu.memory_space<vmem>>) target_semaphore(%arg9 : memref<!tpu.dma_semaphore, #tpu.memory_space<semaphore_mem>>)
    %multiple_of3A_360 = tpu.assume_multiple %squeeze3A_322, 128 : i32
    %dma_start3A_361 = arith.constant 0 : i32
    %dma_start3A_362 = arith.constant 128 : i32
    %dma_start3A_363 = tpu.memref_slice %arg7[%dma_start3A_361, %dma_start3A_362] : memref<16x4096xf32, #tpu.memory_space<vmem>> -> memref<16x128xf32, #tpu.memory_space<vmem>>
    %dma_start3A_364 = arith.constant 0 : i32
    %dma_start3A_365 = tpu.memref_slice %arg3[%dma_start3A_364, %multiple_of3A_360] : memref<16x1000000xf32, #tpu.memory_space<hbm>> -> memref<16x128xf32, #tpu.memory_space<hbm>>
    %dma_start3A_366 = arith.constant 0 : i32
    %dma_start3A_367 = arith.constant 128 : i32
    %dma_start3A_368 = tpu.memref_slice %arg7[%dma_start3A_366, %dma_start3A_367] : memref<16x4096xf32, #tpu.memory_space<vmem>> -> memref<16x128xf32, #tpu.memory_space<vmem>>
    %dma_start3A_369 = arith.constant 0 : i32
    %dma_start3A_370 = tpu.memref_slice %arg3[%dma_start3A_369, %multiple_of3A_360] : memref<16x1000000xf32, #tpu.memory_space<hbm>> -> memref<16x128xf32, #tpu.memory_space<hbm>>
    tpu.enqueue_dma source(%dma_start3A_370 : memref<16x128xf32, #tpu.memory_space<hbm>>) target(%dma_start3A_368 : memref<16x128xf32, #tpu.memory_space<vmem>>) target_semaphore(%arg9 : memref<!tpu.dma_semaphore, #tpu.memory_space<semaphore_mem>>)
    %multiple_of3A_371 = tpu.assume_multiple %squeeze3A_324, 128 : i32
    %dma_start3A_372 = arith.constant 0 : i32
    %dma_start3A_373 = arith.constant 256 : i32
    %dma_start3A_374 = tpu.memref_slice %arg7[%dma_start3A_372, %dma_start3A_373] : memref<16x4096xf32, #tpu.memory_space<vmem>> -> memref<16x128xf32, #tpu.memory_space<vmem>>
    %dma_start3A_375 = arith.constant 0 : i32
    %dma_start3A_376 = tpu.memref_slice %arg3[%dma_start3A_375, %multiple_of3A_371] : memref<16x1000000xf32, #tpu.memory_space<hbm>> -> memref<16x128xf32, #tpu.memory_space<hbm>>
    %dma_start3A_377 = arith.constant 0 : i32
    %dma_start3A_378 = arith.constant 256 : i32
    %dma_start3A_379 = tpu.memref_slice %arg7[%dma_start3A_377, %dma_start3A_378] : memref<16x4096xf32, #tpu.memory_space<vmem>> -> memref<16x128xf32, #tpu.memory_space<vmem>>
    %dma_start3A_380 = arith.constant 0 : i32
    %dma_start3A_381 = tpu.memref_slice %arg3[%dma_start3A_380, %multiple_of3A_371] : memref<16x1000000xf32, #tpu.memory_space<hbm>> -> memref<16x128xf32, #tpu.memory_space<hbm>>
    tpu.enqueue_dma source(%dma_start3A_381 : memref<16x128xf32, #tpu.memory_space<hbm>>) target(%dma_start3A_379 : memref<16x128xf32, #tpu.memory_space<vmem>>) target_semaphore(%arg9 : memref<!tpu.dma_semaphore, #tpu.memory_space<semaphore_mem>>)
    %multiple_of3A_382 = tpu.assume_multiple %squeeze3A_326, 128 : i32
    %dma_start3A_383 = arith.constant 0 : i32
    %dma_start3A_384 = arith.constant 384 : i32
    %dma_start3A_385 = tpu.memref_slice %arg7[%dma_start3A_383, %dma_start3A_384] : memref<16x4096xf32, #tpu.memory_space<vmem>> -> memref<16x128xf32, #tpu.memory_space<vmem>>
    %dma_start3A_386 = arith.constant 0 : i32
    %dma_start3A_387 = tpu.memref_slice %arg3[%dma_start3A_386, %multiple_of3A_382] : memref<16x1000000xf32, #tpu.memory_space<hbm>> -> memref<16x128xf32, #tpu.memory_space<hbm>>
    %dma_start3A_388 = arith.constant 0 : i32
    %dma_start3A_389 = arith.constant 384 : i32
    %dma_start3A_390 = tpu.memref_slice %arg7[%dma_start3A_388, %dma_start3A_389] : memref<16x4096xf32, #tpu.memory_space<vmem>> -> memref<16x128xf32, #tpu.memory_space<vmem>>
    %dma_start3A_391 = arith.constant 0 : i32
    %dma_start3A_392 = tpu.memref_slice %arg3[%dma_start3A_391, %multiple_of3A_382] : memref<16x1000000xf32, #tpu.memory_space<hbm>> -> memref<16x128xf32, #tpu.memory_space<hbm>>
    tpu.enqueue_dma source(%dma_start3A_392 : memref<16x128xf32, #tpu.memory_space<hbm>>) target(%dma_start3A_390 : memref<16x128xf32, #tpu.memory_space<vmem>>) target_semaphore(%arg9 : memref<!tpu.dma_semaphore, #tpu.memory_space<semaphore_mem>>)
    %multiple_of3A_393 = tpu.assume_multiple %squeeze3A_328, 128 : i32
    %dma_start3A_394 = arith.constant 0 : i32
    %dma_start3A_395 = arith.constant 512 : i32
    %dma_start3A_396 = tpu.memref_slice %arg7[%dma_start3A_394, %dma_start3A_395] : memref<16x4096xf32, #tpu.memory_space<vmem>> -> memref<16x128xf32, #tpu.memory_space<vmem>>
    %dma_start3A_397 = arith.constant 0 : i32
    %dma_start3A_398 = tpu.memref_slice %arg3[%dma_start3A_397, %multiple_of3A_393] : memref<16x1000000xf32, #tpu.memory_space<hbm>> -> memref<16x128xf32, #tpu.memory_space<hbm>>
    %dma_start3A_399 = arith.constant 0 : i32
    %dma_start3A_400 = arith.constant 512 : i32
    %dma_start3A_401 = tpu.memref_slice %arg7[%dma_start3A_399, %dma_start3A_400] : memref<16x4096xf32, #tpu.memory_space<vmem>> -> memref<16x128xf32, #tpu.memory_space<vmem>>
    %dma_start3A_402 = arith.constant 0 : i32
    %dma_start3A_403 = tpu.memref_slice %arg3[%dma_start3A_402, %multiple_of3A_393] : memref<16x1000000xf32, #tpu.memory_space<hbm>> -> memref<16x128xf32, #tpu.memory_space<hbm>>
    tpu.enqueue_dma source(%dma_start3A_403 : memref<16x128xf32, #tpu.memory_space<hbm>>) target(%dma_start3A_401 : memref<16x128xf32, #tpu.memory_space<vmem>>) target_semaphore(%arg9 : memref<!tpu.dma_semaphore, #tpu.memory_space<semaphore_mem>>)
    %multiple_of3A_404 = tpu.assume_multiple %squeeze3A_330, 128 : i32
    %dma_start3A_405 = arith.constant 0 : i32
    %dma_start3A_406 = arith.constant 640 : i32
    %dma_start3A_407 = tpu.memref_slice %arg7[%dma_start3A_405, %dma_start3A_406] : memref<16x4096xf32, #tpu.memory_space<vmem>> -> memref<16x128xf32, #tpu.memory_space<vmem>>
    %dma_start3A_408 = arith.constant 0 : i32
    %dma_start3A_409 = tpu.memref_slice %arg3[%dma_start3A_408, %multiple_of3A_404] : memref<16x1000000xf32, #tpu.memory_space<hbm>> -> memref<16x128xf32, #tpu.memory_space<hbm>>
    %dma_start3A_410 = arith.constant 0 : i32
    %dma_start3A_411 = arith.constant 640 : i32
    %dma_start3A_412 = tpu.memref_slice %arg7[%dma_start3A_410, %dma_start3A_411] : memref<16x4096xf32, #tpu.memory_space<vmem>> -> memref<16x128xf32, #tpu.memory_space<vmem>>
    %dma_start3A_413 = arith.constant 0 : i32
    %dma_start3A_414 = tpu.memref_slice %arg3[%dma_start3A_413, %multiple_of3A_404] : memref<16x1000000xf32, #tpu.memory_space<hbm>> -> memref<16x128xf32, #tpu.memory_space<hbm>>
    tpu.enqueue_dma source(%dma_start3A_414 : memref<16x128xf32, #tpu.memory_space<hbm>>) target(%dma_start3A_412 : memref<16x128xf32, #tpu.memory_space<vmem>>) target_semaphore(%arg9 : memref<!tpu.dma_semaphore, #tpu.memory_space<semaphore_mem>>)
    %multiple_of3A_415 = tpu.assume_multiple %squeeze3A_332, 128 : i32
    %dma_start3A_416 = arith.constant 0 : i32
    %dma_start3A_417 = arith.constant 768 : i32
    %dma_start3A_418 = tpu.memref_slice %arg7[%dma_start3A_416, %dma_start3A_417] : memref<16x4096xf32, #tpu.memory_space<vmem>> -> memref<16x128xf32, #tpu.memory_space<vmem>>
    %dma_start3A_419 = arith.constant 0 : i32
    %dma_start3A_420 = tpu.memref_slice %arg3[%dma_start3A_419, %multiple_of3A_415] : memref<16x1000000xf32, #tpu.memory_space<hbm>> -> memref<16x128xf32, #tpu.memory_space<hbm>>
    %dma_start3A_421 = arith.constant 0 : i32
    %dma_start3A_422 = arith.constant 768 : i32
    %dma_start3A_423 = tpu.memref_slice %arg7[%dma_start3A_421, %dma_start3A_422] : memref<16x4096xf32, #tpu.memory_space<vmem>> -> memref<16x128xf32, #tpu.memory_space<vmem>>
    %dma_start3A_424 = arith.constant 0 : i32
    %dma_start3A_425 = tpu.memref_slice %arg3[%dma_start3A_424, %multiple_of3A_415] : memref<16x1000000xf32, #tpu.memory_space<hbm>> -> memref<16x128xf32, #tpu.memory_space<hbm>>
    tpu.enqueue_dma source(%dma_start3A_425 : memref<16x128xf32, #tpu.memory_space<hbm>>) target(%dma_start3A_423 : memref<16x128xf32, #tpu.memory_space<vmem>>) target_semaphore(%arg9 : memref<!tpu.dma_semaphore, #tpu.memory_space<semaphore_mem>>)
    %multiple_of3A_426 = tpu.assume_multiple %squeeze3A_334, 128 : i32
    %dma_start3A_427 = arith.constant 0 : i32
    %dma_start3A_428 = arith.constant 896 : i32
    %dma_start3A_429 = tpu.memref_slice %arg7[%dma_start3A_427, %dma_start3A_428] : memref<16x4096xf32, #tpu.memory_space<vmem>> -> memref<16x128xf32, #tpu.memory_space<vmem>>
    %dma_start3A_430 = arith.constant 0 : i32
    %dma_start3A_431 = tpu.memref_slice %arg3[%dma_start3A_430, %multiple_of3A_426] : memref<16x1000000xf32, #tpu.memory_space<hbm>> -> memref<16x128xf32, #tpu.memory_space<hbm>>
    %dma_start3A_432 = arith.constant 0 : i32
    %dma_start3A_433 = arith.constant 896 : i32
    %dma_start3A_434 = tpu.memref_slice %arg7[%dma_start3A_432, %dma_start3A_433] : memref<16x4096xf32, #tpu.memory_space<vmem>> -> memref<16x128xf32, #tpu.memory_space<vmem>>
    %dma_start3A_435 = arith.constant 0 : i32
    %dma_start3A_436 = tpu.memref_slice %arg3[%dma_start3A_435, %multiple_of3A_426] : memref<16x1000000xf32, #tpu.memory_space<hbm>> -> memref<16x128xf32, #tpu.memory_space<hbm>>
    tpu.enqueue_dma source(%dma_start3A_436 : memref<16x128xf32, #tpu.memory_space<hbm>>) target(%dma_start3A_434 : memref<16x128xf32, #tpu.memory_space<vmem>>) target_semaphore(%arg9 : memref<!tpu.dma_semaphore, #tpu.memory_space<semaphore_mem>>)
    %multiple_of3A_437 = tpu.assume_multiple %squeeze3A_336, 128 : i32
    %dma_start3A_438 = arith.constant 0 : i32
    %dma_start3A_439 = arith.constant 1024 : i32
    %dma_start3A_440 = tpu.memref_slice %arg7[%dma_start3A_438, %dma_start3A_439] : memref<16x4096xf32, #tpu.memory_space<vmem>> -> memref<16x128xf32, #tpu.memory_space<vmem>>
    %dma_start3A_441 = arith.constant 0 : i32
    %dma_start3A_442 = tpu.memref_slice %arg3[%dma_start3A_441, %multiple_of3A_437] : memref<16x1000000xf32, #tpu.memory_space<hbm>> -> memref<16x128xf32, #tpu.memory_space<hbm>>
    %dma_start3A_443 = arith.constant 0 : i32
    %dma_start3A_444 = arith.constant 1024 : i32
    %dma_start3A_445 = tpu.memref_slice %arg7[%dma_start3A_443, %dma_start3A_444] : memref<16x4096xf32, #tpu.memory_space<vmem>> -> memref<16x128xf32, #tpu.memory_space<vmem>>
    %dma_start3A_446 = arith.constant 0 : i32
    %dma_start3A_447 = tpu.memref_slice %arg3[%dma_start3A_446, %multiple_of3A_437] : memref<16x1000000xf32, #tpu.memory_space<hbm>> -> memref<16x128xf32, #tpu.memory_space<hbm>>
    tpu.enqueue_dma source(%dma_start3A_447 : memref<16x128xf32, #tpu.memory_space<hbm>>) target(%dma_start3A_445 : memref<16x128xf32, #tpu.memory_space<vmem>>) target_semaphore(%arg9 : memref<!tpu.dma_semaphore, #tpu.memory_space<semaphore_mem>>)
    %multiple_of3A_448 = tpu.assume_multiple %squeeze3A_338, 128 : i32
    %dma_start3A_449 = arith.constant 0 : i32
    %dma_start3A_450 = arith.constant 1152 : i32
    %dma_start3A_451 = tpu.memref_slice %arg7[%dma_start3A_449, %dma_start3A_450] : memref<16x4096xf32, #tpu.memory_space<vmem>> -> memref<16x128xf32, #tpu.memory_space<vmem>>
    %dma_start3A_452 = arith.constant 0 : i32
    %dma_start3A_453 = tpu.memref_slice %arg3[%dma_start3A_452, %multiple_of3A_448] : memref<16x1000000xf32, #tpu.memory_space<hbm>> -> memref<16x128xf32, #tpu.memory_space<hbm>>
    %dma_start3A_454 = arith.constant 0 : i32
    %dma_start3A_455 = arith.constant 1152 : i32
    %dma_start3A_456 = tpu.memref_slice %arg7[%dma_start3A_454, %dma_start3A_455] : memref<16x4096xf32, #tpu.memory_space<vmem>> -> memref<16x128xf32, #tpu.memory_space<vmem>>
    %dma_start3A_457 = arith.constant 0 : i32
    %dma_start3A_458 = tpu.memref_slice %arg3[%dma_start3A_457, %multiple_of3A_448] : memref<16x1000000xf32, #tpu.memory_space<hbm>> -> memref<16x128xf32, #tpu.memory_space<hbm>>
    tpu.enqueue_dma source(%dma_start3A_458 : memref<16x128xf32, #tpu.memory_space<hbm>>) target(%dma_start3A_456 : memref<16x128xf32, #tpu.memory_space<vmem>>) target_semaphore(%arg9 : memref<!tpu.dma_semaphore, #tpu.memory_space<semaphore_mem>>)
    %multiple_of3A_459 = tpu.assume_multiple %squeeze3A_340, 128 : i32
    %dma_start3A_460 = arith.constant 0 : i32
    %dma_start3A_461 = arith.constant 1280 : i32
    %dma_start3A_462 = tpu.memref_slice %arg7[%dma_start3A_460, %dma_start3A_461] : memref<16x4096xf32, #tpu.memory_space<vmem>> -> memref<16x128xf32, #tpu.memory_space<vmem>>
    %dma_start3A_463 = arith.constant 0 : i32
    %dma_start3A_464 = tpu.memref_slice %arg3[%dma_start3A_463, %multiple_of3A_459] : memref<16x1000000xf32, #tpu.memory_space<hbm>> -> memref<16x128xf32, #tpu.memory_space<hbm>>
    %dma_start3A_465 = arith.constant 0 : i32
    %dma_start3A_466 = arith.constant 1280 : i32
    %dma_start3A_467 = tpu.memref_slice %arg7[%dma_start3A_465, %dma_start3A_466] : memref<16x4096xf32, #tpu.memory_space<vmem>> -> memref<16x128xf32, #tpu.memory_space<vmem>>
    %dma_start3A_468 = arith.constant 0 : i32
    %dma_start3A_469 = tpu.memref_slice %arg3[%dma_start3A_468, %multiple_of3A_459] : memref<16x1000000xf32, #tpu.memory_space<hbm>> -> memref<16x128xf32, #tpu.memory_space<hbm>>
    tpu.enqueue_dma source(%dma_start3A_469 : memref<16x128xf32, #tpu.memory_space<hbm>>) target(%dma_start3A_467 : memref<16x128xf32, #tpu.memory_space<vmem>>) target_semaphore(%arg9 : memref<!tpu.dma_semaphore, #tpu.memory_space<semaphore_mem>>)
    %multiple_of3A_470 = tpu.assume_multiple %squeeze3A_342, 128 : i32
    %dma_start3A_471 = arith.constant 0 : i32
    %dma_start3A_472 = arith.constant 1408 : i32
    %dma_start3A_473 = tpu.memref_slice %arg7[%dma_start3A_471, %dma_start3A_472] : memref<16x4096xf32, #tpu.memory_space<vmem>> -> memref<16x128xf32, #tpu.memory_space<vmem>>
    %dma_start3A_474 = arith.constant 0 : i32
    %dma_start3A_475 = tpu.memref_slice %arg3[%dma_start3A_474, %multiple_of3A_470] : memref<16x1000000xf32, #tpu.memory_space<hbm>> -> memref<16x128xf32, #tpu.memory_space<hbm>>
    %dma_start3A_476 = arith.constant 0 : i32
    %dma_start3A_477 = arith.constant 1408 : i32
    %dma_start3A_478 = tpu.memref_slice %arg7[%dma_start3A_476, %dma_start3A_477] : memref<16x4096xf32, #tpu.memory_space<vmem>> -> memref<16x128xf32, #tpu.memory_space<vmem>>
    %dma_start3A_479 = arith.constant 0 : i32
    %dma_start3A_480 = tpu.memref_slice %arg3[%dma_start3A_479, %multiple_of3A_470] : memref<16x1000000xf32, #tpu.memory_space<hbm>> -> memref<16x128xf32, #tpu.memory_space<hbm>>
    tpu.enqueue_dma source(%dma_start3A_480 : memref<16x128xf32, #tpu.memory_space<hbm>>) target(%dma_start3A_478 : memref<16x128xf32, #tpu.memory_space<vmem>>) target_semaphore(%arg9 : memref<!tpu.dma_semaphore, #tpu.memory_space<semaphore_mem>>)
    %multiple_of3A_481 = tpu.assume_multiple %squeeze3A_344, 128 : i32
    %dma_start3A_482 = arith.constant 0 : i32
    %dma_start3A_483 = arith.constant 1536 : i32
    %dma_start3A_484 = tpu.memref_slice %arg7[%dma_start3A_482, %dma_start3A_483] : memref<16x4096xf32, #tpu.memory_space<vmem>> -> memref<16x128xf32, #tpu.memory_space<vmem>>
    %dma_start3A_485 = arith.constant 0 : i32
    %dma_start3A_486 = tpu.memref_slice %arg3[%dma_start3A_485, %multiple_of3A_481] : memref<16x1000000xf32, #tpu.memory_space<hbm>> -> memref<16x128xf32, #tpu.memory_space<hbm>>
    %dma_start3A_487 = arith.constant 0 : i32
    %dma_start3A_488 = arith.constant 1536 : i32
    %dma_start3A_489 = tpu.memref_slice %arg7[%dma_start3A_487, %dma_start3A_488] : memref<16x4096xf32, #tpu.memory_space<vmem>> -> memref<16x128xf32, #tpu.memory_space<vmem>>
    %dma_start3A_490 = arith.constant 0 : i32
    %dma_start3A_491 = tpu.memref_slice %arg3[%dma_start3A_490, %multiple_of3A_481] : memref<16x1000000xf32, #tpu.memory_space<hbm>> -> memref<16x128xf32, #tpu.memory_space<hbm>>
    tpu.enqueue_dma source(%dma_start3A_491 : memref<16x128xf32, #tpu.memory_space<hbm>>) target(%dma_start3A_489 : memref<16x128xf32, #tpu.memory_space<vmem>>) target_semaphore(%arg9 : memref<!tpu.dma_semaphore, #tpu.memory_space<semaphore_mem>>)
    %multiple_of3A_492 = tpu.assume_multiple %squeeze3A_346, 128 : i32
    %dma_start3A_493 = arith.constant 0 : i32
    %dma_start3A_494 = arith.constant 1664 : i32
    %dma_start3A_495 = tpu.memref_slice %arg7[%dma_start3A_493, %dma_start3A_494] : memref<16x4096xf32, #tpu.memory_space<vmem>> -> memref<16x128xf32, #tpu.memory_space<vmem>>
    %dma_start3A_496 = arith.constant 0 : i32
    %dma_start3A_497 = tpu.memref_slice %arg3[%dma_start3A_496, %multiple_of3A_492] : memref<16x1000000xf32, #tpu.memory_space<hbm>> -> memref<16x128xf32, #tpu.memory_space<hbm>>
    %dma_start3A_498 = arith.constant 0 : i32
    %dma_start3A_499 = arith.constant 1664 : i32
    %dma_start3A_500 = tpu.memref_slice %arg7[%dma_start3A_498, %dma_start3A_499] : memref<16x4096xf32, #tpu.memory_space<vmem>> -> memref<16x128xf32, #tpu.memory_space<vmem>>
    %dma_start3A_501 = arith.constant 0 : i32
    %dma_start3A_502 = tpu.memref_slice %arg3[%dma_start3A_501, %multiple_of3A_492] : memref<16x1000000xf32, #tpu.memory_space<hbm>> -> memref<16x128xf32, #tpu.memory_space<hbm>>
    tpu.enqueue_dma source(%dma_start3A_502 : memref<16x128xf32, #tpu.memory_space<hbm>>) target(%dma_start3A_500 : memref<16x128xf32, #tpu.memory_space<vmem>>) target_semaphore(%arg9 : memref<!tpu.dma_semaphore, #tpu.memory_space<semaphore_mem>>)
    %multiple_of3A_503 = tpu.assume_multiple %squeeze3A_348, 128 : i32
    %dma_start3A_504 = arith.constant 0 : i32
    %dma_start3A_505 = arith.constant 1792 : i32
    %dma_start3A_506 = tpu.memref_slice %arg7[%dma_start3A_504, %dma_start3A_505] : memref<16x4096xf32, #tpu.memory_space<vmem>> -> memref<16x128xf32, #tpu.memory_space<vmem>>
    %dma_start3A_507 = arith.constant 0 : i32
    %dma_start3A_508 = tpu.memref_slice %arg3[%dma_start3A_507, %multiple_of3A_503] : memref<16x1000000xf32, #tpu.memory_space<hbm>> -> memref<16x128xf32, #tpu.memory_space<hbm>>
    %dma_start3A_509 = arith.constant 0 : i32
    %dma_start3A_510 = arith.constant 1792 : i32
    %dma_start3A_511 = tpu.memref_slice %arg7[%dma_start3A_509, %dma_start3A_510] : memref<16x4096xf32, #tpu.memory_space<vmem>> -> memref<16x128xf32, #tpu.memory_space<vmem>>
    %dma_start3A_512 = arith.constant 0 : i32
    %dma_start3A_513 = tpu.memref_slice %arg3[%dma_start3A_512, %multiple_of3A_503] : memref<16x1000000xf32, #tpu.memory_space<hbm>> -> memref<16x128xf32, #tpu.memory_space<hbm>>
    tpu.enqueue_dma source(%dma_start3A_513 : memref<16x128xf32, #tpu.memory_space<hbm>>) target(%dma_start3A_511 : memref<16x128xf32, #tpu.memory_space<vmem>>) target_semaphore(%arg9 : memref<!tpu.dma_semaphore, #tpu.memory_space<semaphore_mem>>)
    %multiple_of3A_514 = tpu.assume_multiple %squeeze3A_350, 128 : i32
    %dma_start3A_515 = arith.constant 0 : i32
    %dma_start3A_516 = arith.constant 1920 : i32
    %dma_start3A_517 = tpu.memref_slice %arg7[%dma_start3A_515, %dma_start3A_516] : memref<16x4096xf32, #tpu.memory_space<vmem>> -> memref<16x128xf32, #tpu.memory_space<vmem>>
    %dma_start3A_518 = arith.constant 0 : i32
    %dma_start3A_519 = tpu.memref_slice %arg3[%dma_start3A_518, %multiple_of3A_514] : memref<16x1000000xf32, #tpu.memory_space<hbm>> -> memref<16x128xf32, #tpu.memory_space<hbm>>
    %dma_start3A_520 = arith.constant 0 : i32
    %dma_start3A_521 = arith.constant 1920 : i32
    %dma_start3A_522 = tpu.memref_slice %arg7[%dma_start3A_520, %dma_start3A_521] : memref<16x4096xf32, #tpu.memory_space<vmem>> -> memref<16x128xf32, #tpu.memory_space<vmem>>
    %dma_start3A_523 = arith.constant 0 : i32
    %dma_start3A_524 = tpu.memref_slice %arg3[%dma_start3A_523, %multiple_of3A_514] : memref<16x1000000xf32, #tpu.memory_space<hbm>> -> memref<16x128xf32, #tpu.memory_space<hbm>>
    tpu.enqueue_dma source(%dma_start3A_524 : memref<16x128xf32, #tpu.memory_space<hbm>>) target(%dma_start3A_522 : memref<16x128xf32, #tpu.memory_space<vmem>>) target_semaphore(%arg9 : memref<!tpu.dma_semaphore, #tpu.memory_space<semaphore_mem>>)
    %scan3A = arith.constant 0 : i32
    %scan3A_525 = arith.constant 0 : i32
    %scan3A_526 = arith.constant 16 : i32
    %scan3A_527 = arith.addi %scan3A_525, %scan3A_526 : i32
    %scan3A_528 = arith.constant 1 : i32
    scf.for %scan3A_532 = %scan3A_525 to %scan3A_527 step %scan3A_528  : i32 {
      %mul3A_533 = arith.constant 2 : i32
      %mul3A_534 = arith.muli %scan3A_532, %mul3A_533 : i32
      %add3A_535 = arith.constant 1 : i32
      %add3A_536 = arith.addi %mul3A_534, %add3A_535 : i32
      %mul3A_537 = arith.constant 16 : i32
      %mul3A_538 = arith.muli %add3A_536, %mul3A_537 : i32
      %get3A_539 = arith.index_cast %mul3A_538 : i32 to index
      %get3A_540 = tpu.vector_load %arg6[%get3A_539] {strides = array<i32>} : memref<512xi32, #tpu.memory_space<vmem>>, vector<16xi32>,
      %slice3A_541 = vector.extract_strided_slice %get3A_540 {offsets = [0], sizes = [1], strides = [1]} : vector<16xi32> to vector<1xi32>
      %squeeze3A_542 = vector.extract %slice3A_541[0] : i32 from vector<1xi32>
      %slice3A_543 = vector.extract_strided_slice %get3A_540 {offsets = [1], sizes = [1], strides = [1]} : vector<16xi32> to vector<1xi32>
      %squeeze3A_544 = vector.extract %slice3A_543[0] : i32 from vector<1xi32>
      %slice3A_545 = vector.extract_strided_slice %get3A_540 {offsets = [2], sizes = [1], strides = [1]} : vector<16xi32> to vector<1xi32>
      %squeeze3A_546 = vector.extract %slice3A_545[0] : i32 from vector<1xi32>
      %slice3A_547 = vector.extract_strided_slice %get3A_540 {offsets = [3], sizes = [1], strides = [1]} : vector<16xi32> to vector<1xi32>
      %squeeze3A_548 = vector.extract %slice3A_547[0] : i32 from vector<1xi32>
      %slice3A_549 = vector.extract_strided_slice %get3A_540 {offsets = [4], sizes = [1], strides = [1]} : vector<16xi32> to vector<1xi32>
      %squeeze3A_550 = vector.extract %slice3A_549[0] : i32 from vector<1xi32>
      %slice3A_551 = vector.extract_strided_slice %get3A_540 {offsets = [5], sizes = [1], strides = [1]} : vector<16xi32> to vector<1xi32>
      %squeeze3A_552 = vector.extract %slice3A_551[0] : i32 from vector<1xi32>
      %slice3A_553 = vector.extract_strided_slice %get3A_540 {offsets = [6], sizes = [1], strides = [1]} : vector<16xi32> to vector<1xi32>
      %squeeze3A_554 = vector.extract %slice3A_553[0] : i32 from vector<1xi32>
      %slice3A_555 = vector.extract_strided_slice %get3A_540 {offsets = [7], sizes = [1], strides = [1]} : vector<16xi32> to vector<1xi32>
      %squeeze3A_556 = vector.extract %slice3A_555[0] : i32 from vector<1xi32>
      %slice3A_557 = vector.extract_strided_slice %get3A_540 {offsets = [8], sizes = [1], strides = [1]} : vector<16xi32> to vector<1xi32>
      %squeeze3A_558 = vector.extract %slice3A_557[0] : i32 from vector<1xi32>
      %slice3A_559 = vector.extract_strided_slice %get3A_540 {offsets = [9], sizes = [1], strides = [1]} : vector<16xi32> to vector<1xi32>
      %squeeze3A_560 = vector.extract %slice3A_559[0] : i32 from vector<1xi32>
      %slice3A_561 = vector.extract_strided_slice %get3A_540 {offsets = [10], sizes = [1], strides = [1]} : vector<16xi32> to vector<1xi32>
      %squeeze3A_562 = vector.extract %slice3A_561[0] : i32 from vector<1xi32>
      %slice3A_563 = vector.extract_strided_slice %get3A_540 {offsets = [11], sizes = [1], strides = [1]} : vector<16xi32> to vector<1xi32>
      %squeeze3A_564 = vector.extract %slice3A_563[0] : i32 from vector<1xi32>
      %slice3A_565 = vector.extract_strided_slice %get3A_540 {offsets = [12], sizes = [1], strides = [1]} : vector<16xi32> to vector<1xi32>
      %squeeze3A_566 = vector.extract %slice3A_565[0] : i32 from vector<1xi32>
      %slice3A_567 = vector.extract_strided_slice %get3A_540 {offsets = [13], sizes = [1], strides = [1]} : vector<16xi32> to vector<1xi32>
      %squeeze3A_568 = vector.extract %slice3A_567[0] : i32 from vector<1xi32>
      %slice3A_569 = vector.extract_strided_slice %get3A_540 {offsets = [14], sizes = [1], strides = [1]} : vector<16xi32> to vector<1xi32>
      %squeeze3A_570 = vector.extract %slice3A_569[0] : i32 from vector<1xi32>
      %slice3A_571 = vector.extract_strided_slice %get3A_540 {offsets = [15], sizes = [1], strides = [1]} : vector<16xi32> to vector<1xi32>
      %squeeze3A_572 = vector.extract %slice3A_571[0] : i32 from vector<1xi32>
      %multiple_of3A_573 = tpu.assume_multiple %squeeze3A_542, 128 : i32
      %dma_start3A_574 = arith.constant 0 : i32
      %dma_start3A_575 = arith.constant 2048 : i32
      %dma_start3A_576 = tpu.memref_slice %arg7[%dma_start3A_574, %dma_start3A_575] : memref<16x4096xf32, #tpu.memory_space<vmem>> -> memref<16x128xf32, #tpu.memory_space<vmem>>
      %dma_start3A_577 = arith.constant 0 : i32
      %dma_start3A_578 = tpu.memref_slice %arg3[%dma_start3A_577, %multiple_of3A_573] : memref<16x1000000xf32, #tpu.memory_space<hbm>> -> memref<16x128xf32, #tpu.memory_space<hbm>>
      %dma_start3A_579 = arith.constant 0 : i32
      %dma_start3A_580 = arith.constant 2048 : i32
      %dma_start3A_581 = tpu.memref_slice %arg7[%dma_start3A_579, %dma_start3A_580] : memref<16x4096xf32, #tpu.memory_space<vmem>> -> memref<16x128xf32, #tpu.memory_space<vmem>>
      %dma_start3A_582 = arith.constant 0 : i32
      %dma_start3A_583 = tpu.memref_slice %arg3[%dma_start3A_582, %multiple_of3A_573] : memref<16x1000000xf32, #tpu.memory_space<hbm>> -> memref<16x128xf32, #tpu.memory_space<hbm>>
      tpu.enqueue_dma source(%dma_start3A_583 : memref<16x128xf32, #tpu.memory_space<hbm>>) target(%dma_start3A_581 : memref<16x128xf32, #tpu.memory_space<vmem>>) target_semaphore(%arg10 : memref<!tpu.dma_semaphore, #tpu.memory_space<semaphore_mem>>)
      %multiple_of3A_584 = tpu.assume_multiple %squeeze3A_544, 128 : i32
      %dma_start3A_585 = arith.constant 0 : i32
      %dma_start3A_586 = arith.constant 2176 : i32
      %dma_start3A_587 = tpu.memref_slice %arg7[%dma_start3A_585, %dma_start3A_586] : memref<16x4096xf32, #tpu.memory_space<vmem>> -> memref<16x128xf32, #tpu.memory_space<vmem>>
      %dma_start3A_588 = arith.constant 0 : i32
      %dma_start3A_589 = tpu.memref_slice %arg3[%dma_start3A_588, %multiple_of3A_584] : memref<16x1000000xf32, #tpu.memory_space<hbm>> -> memref<16x128xf32, #tpu.memory_space<hbm>>
      %dma_start3A_590 = arith.constant 0 : i32
      %dma_start3A_591 = arith.constant 2176 : i32
      %dma_start3A_592 = tpu.memref_slice %arg7[%dma_start3A_590, %dma_start3A_591] : memref<16x4096xf32, #tpu.memory_space<vmem>> -> memref<16x128xf32, #tpu.memory_space<vmem>>
      %dma_start3A_593 = arith.constant 0 : i32
      %dma_start3A_594 = tpu.memref_slice %arg3[%dma_start3A_593, %multiple_of3A_584] : memref<16x1000000xf32, #tpu.memory_space<hbm>> -> memref<16x128xf32, #tpu.memory_space<hbm>>
      tpu.enqueue_dma source(%dma_start3A_594 : memref<16x128xf32, #tpu.memory_space<hbm>>) target(%dma_start3A_592 : memref<16x128xf32, #tpu.memory_space<vmem>>) target_semaphore(%arg10 : memref<!tpu.dma_semaphore, #tpu.memory_space<semaphore_mem>>)
      %multiple_of3A_595 = tpu.assume_multiple %squeeze3A_546, 128 : i32
      %dma_start3A_596 = arith.constant 0 : i32
      %dma_start3A_597 = arith.constant 2304 : i32
      %dma_start3A_598 = tpu.memref_slice %arg7[%dma_start3A_596, %dma_start3A_597] : memref<16x4096xf32, #tpu.memory_space<vmem>> -> memref<16x128xf32, #tpu.memory_space<vmem>>
      %dma_start3A_599 = arith.constant 0 : i32
      %dma_start3A_600 = tpu.memref_slice %arg3[%dma_start3A_599, %multiple_of3A_595] : memref<16x1000000xf32, #tpu.memory_space<hbm>> -> memref<16x128xf32, #tpu.memory_space<hbm>>
      %dma_start3A_601 = arith.constant 0 : i32
      %dma_start3A_602 = arith.constant 2304 : i32
      %dma_start3A_603 = tpu.memref_slice %arg7[%dma_start3A_601, %dma_start3A_602] : memref<16x4096xf32, #tpu.memory_space<vmem>> -> memref<16x128xf32, #tpu.memory_space<vmem>>
      %dma_start3A_604 = arith.constant 0 : i32
      %dma_start3A_605 = tpu.memref_slice %arg3[%dma_start3A_604, %multiple_of3A_595] : memref<16x1000000xf32, #tpu.memory_space<hbm>> -> memref<16x128xf32, #tpu.memory_space<hbm>>
      tpu.enqueue_dma source(%dma_start3A_605 : memref<16x128xf32, #tpu.memory_space<hbm>>) target(%dma_start3A_603 : memref<16x128xf32, #tpu.memory_space<vmem>>) target_semaphore(%arg10 : memref<!tpu.dma_semaphore, #tpu.memory_space<semaphore_mem>>)
      %multiple_of3A_606 = tpu.assume_multiple %squeeze3A_548, 128 : i32
      %dma_start3A_607 = arith.constant 0 : i32
      %dma_start3A_608 = arith.constant 2432 : i32
      %dma_start3A_609 = tpu.memref_slice %arg7[%dma_start3A_607, %dma_start3A_608] : memref<16x4096xf32, #tpu.memory_space<vmem>> -> memref<16x128xf32, #tpu.memory_space<vmem>>
      %dma_start3A_610 = arith.constant 0 : i32
      %dma_start3A_611 = tpu.memref_slice %arg3[%dma_start3A_610, %multiple_of3A_606] : memref<16x1000000xf32, #tpu.memory_space<hbm>> -> memref<16x128xf32, #tpu.memory_space<hbm>>
      %dma_start3A_612 = arith.constant 0 : i32
      %dma_start3A_613 = arith.constant 2432 : i32
      %dma_start3A_614 = tpu.memref_slice %arg7[%dma_start3A_612, %dma_start3A_613] : memref<16x4096xf32, #tpu.memory_space<vmem>> -> memref<16x128xf32, #tpu.memory_space<vmem>>
      %dma_start3A_615 = arith.constant 0 : i32
      %dma_start3A_616 = tpu.memref_slice %arg3[%dma_start3A_615, %multiple_of3A_606] : memref<16x1000000xf32, #tpu.memory_space<hbm>> -> memref<16x128xf32, #tpu.memory_space<hbm>>
      tpu.enqueue_dma source(%dma_start3A_616 : memref<16x128xf32, #tpu.memory_space<hbm>>) target(%dma_start3A_614 : memref<16x128xf32, #tpu.memory_space<vmem>>) target_semaphore(%arg10 : memref<!tpu.dma_semaphore, #tpu.memory_space<semaphore_mem>>)
      %multiple_of3A_617 = tpu.assume_multiple %squeeze3A_550, 128 : i32
      %dma_start3A_618 = arith.constant 0 : i32
      %dma_start3A_619 = arith.constant 2560 : i32
      %dma_start3A_620 = tpu.memref_slice %arg7[%dma_start3A_618, %dma_start3A_619] : memref<16x4096xf32, #tpu.memory_space<vmem>> -> memref<16x128xf32, #tpu.memory_space<vmem>>
      %dma_start3A_621 = arith.constant 0 : i32
      %dma_start3A_622 = tpu.memref_slice %arg3[%dma_start3A_621, %multiple_of3A_617] : memref<16x1000000xf32, #tpu.memory_space<hbm>> -> memref<16x128xf32, #tpu.memory_space<hbm>>
      %dma_start3A_623 = arith.constant 0 : i32
      %dma_start3A_624 = arith.constant 2560 : i32
      %dma_start3A_625 = tpu.memref_slice %arg7[%dma_start3A_623, %dma_start3A_624] : memref<16x4096xf32, #tpu.memory_space<vmem>> -> memref<16x128xf32, #tpu.memory_space<vmem>>
      %dma_start3A_626 = arith.constant 0 : i32
      %dma_start3A_627 = tpu.memref_slice %arg3[%dma_start3A_626, %multiple_of3A_617] : memref<16x1000000xf32, #tpu.memory_space<hbm>> -> memref<16x128xf32, #tpu.memory_space<hbm>>
      tpu.enqueue_dma source(%dma_start3A_627 : memref<16x128xf32, #tpu.memory_space<hbm>>) target(%dma_start3A_625 : memref<16x128xf32, #tpu.memory_space<vmem>>) target_semaphore(%arg10 : memref<!tpu.dma_semaphore, #tpu.memory_space<semaphore_mem>>)
      %multiple_of3A_628 = tpu.assume_multiple %squeeze3A_552, 128 : i32
      %dma_start3A_629 = arith.constant 0 : i32
      %dma_start3A_630 = arith.constant 2688 : i32
      %dma_start3A_631 = tpu.memref_slice %arg7[%dma_start3A_629, %dma_start3A_630] : memref<16x4096xf32, #tpu.memory_space<vmem>> -> memref<16x128xf32, #tpu.memory_space<vmem>>
      %dma_start3A_632 = arith.constant 0 : i32
      %dma_start3A_633 = tpu.memref_slice %arg3[%dma_start3A_632, %multiple_of3A_628] : memref<16x1000000xf32, #tpu.memory_space<hbm>> -> memref<16x128xf32, #tpu.memory_space<hbm>>
      %dma_start3A_634 = arith.constant 0 : i32
      %dma_start3A_635 = arith.constant 2688 : i32
      %dma_start3A_636 = tpu.memref_slice %arg7[%dma_start3A_634, %dma_start3A_635] : memref<16x4096xf32, #tpu.memory_space<vmem>> -> memref<16x128xf32, #tpu.memory_space<vmem>>
      %dma_start3A_637 = arith.constant 0 : i32
      %dma_start3A_638 = tpu.memref_slice %arg3[%dma_start3A_637, %multiple_of3A_628] : memref<16x1000000xf32, #tpu.memory_space<hbm>> -> memref<16x128xf32, #tpu.memory_space<hbm>>
      tpu.enqueue_dma source(%dma_start3A_638 : memref<16x128xf32, #tpu.memory_space<hbm>>) target(%dma_start3A_636 : memref<16x128xf32, #tpu.memory_space<vmem>>) target_semaphore(%arg10 : memref<!tpu.dma_semaphore, #tpu.memory_space<semaphore_mem>>)
      %multiple_of3A_639 = tpu.assume_multiple %squeeze3A_554, 128 : i32
      %dma_start3A_640 = arith.constant 0 : i32
      %dma_start3A_641 = arith.constant 2816 : i32
      %dma_start3A_642 = tpu.memref_slice %arg7[%dma_start3A_640, %dma_start3A_641] : memref<16x4096xf32, #tpu.memory_space<vmem>> -> memref<16x128xf32, #tpu.memory_space<vmem>>
      %dma_start3A_643 = arith.constant 0 : i32
      %dma_start3A_644 = tpu.memref_slice %arg3[%dma_start3A_643, %multiple_of3A_639] : memref<16x1000000xf32, #tpu.memory_space<hbm>> -> memref<16x128xf32, #tpu.memory_space<hbm>>
      %dma_start3A_645 = arith.constant 0 : i32
      %dma_start3A_646 = arith.constant 2816 : i32
      %dma_start3A_647 = tpu.memref_slice %arg7[%dma_start3A_645, %dma_start3A_646] : memref<16x4096xf32, #tpu.memory_space<vmem>> -> memref<16x128xf32, #tpu.memory_space<vmem>>
      %dma_start3A_648 = arith.constant 0 : i32
      %dma_start3A_649 = tpu.memref_slice %arg3[%dma_start3A_648, %multiple_of3A_639] : memref<16x1000000xf32, #tpu.memory_space<hbm>> -> memref<16x128xf32, #tpu.memory_space<hbm>>
      tpu.enqueue_dma source(%dma_start3A_649 : memref<16x128xf32, #tpu.memory_space<hbm>>) target(%dma_start3A_647 : memref<16x128xf32, #tpu.memory_space<vmem>>) target_semaphore(%arg10 : memref<!tpu.dma_semaphore, #tpu.memory_space<semaphore_mem>>)
      %multiple_of3A_650 = tpu.assume_multiple %squeeze3A_556, 128 : i32
      %dma_start3A_651 = arith.constant 0 : i32
      %dma_start3A_652 = arith.constant 2944 : i32
      %dma_start3A_653 = tpu.memref_slice %arg7[%dma_start3A_651, %dma_start3A_652] : memref<16x4096xf32, #tpu.memory_space<vmem>> -> memref<16x128xf32, #tpu.memory_space<vmem>>
      %dma_start3A_654 = arith.constant 0 : i32
      %dma_start3A_655 = tpu.memref_slice %arg3[%dma_start3A_654, %multiple_of3A_650] : memref<16x1000000xf32, #tpu.memory_space<hbm>> -> memref<16x128xf32, #tpu.memory_space<hbm>>
      %dma_start3A_656 = arith.constant 0 : i32
      %dma_start3A_657 = arith.constant 2944 : i32
      %dma_start3A_658 = tpu.memref_slice %arg7[%dma_start3A_656, %dma_start3A_657] : memref<16x4096xf32, #tpu.memory_space<vmem>> -> memref<16x128xf32, #tpu.memory_space<vmem>>
      %dma_start3A_659 = arith.constant 0 : i32
      %dma_start3A_660 = tpu.memref_slice %arg3[%dma_start3A_659, %multiple_of3A_650] : memref<16x1000000xf32, #tpu.memory_space<hbm>> -> memref<16x128xf32, #tpu.memory_space<hbm>>
      tpu.enqueue_dma source(%dma_start3A_660 : memref<16x128xf32, #tpu.memory_space<hbm>>) target(%dma_start3A_658 : memref<16x128xf32, #tpu.memory_space<vmem>>) target_semaphore(%arg10 : memref<!tpu.dma_semaphore, #tpu.memory_space<semaphore_mem>>)
      %multiple_of3A_661 = tpu.assume_multiple %squeeze3A_558, 128 : i32
      %dma_start3A_662 = arith.constant 0 : i32
      %dma_start3A_663 = arith.constant 3072 : i32
      %dma_start3A_664 = tpu.memref_slice %arg7[%dma_start3A_662, %dma_start3A_663] : memref<16x4096xf32, #tpu.memory_space<vmem>> -> memref<16x128xf32, #tpu.memory_space<vmem>>
      %dma_start3A_665 = arith.constant 0 : i32
      %dma_start3A_666 = tpu.memref_slice %arg3[%dma_start3A_665, %multiple_of3A_661] : memref<16x1000000xf32, #tpu.memory_space<hbm>> -> memref<16x128xf32, #tpu.memory_space<hbm>>
      %dma_start3A_667 = arith.constant 0 : i32
      %dma_start3A_668 = arith.constant 3072 : i32
      %dma_start3A_669 = tpu.memref_slice %arg7[%dma_start3A_667, %dma_start3A_668] : memref<16x4096xf32, #tpu.memory_space<vmem>> -> memref<16x128xf32, #tpu.memory_space<vmem>>
      %dma_start3A_670 = arith.constant 0 : i32
      %dma_start3A_671 = tpu.memref_slice %arg3[%dma_start3A_670, %multiple_of3A_661] : memref<16x1000000xf32, #tpu.memory_space<hbm>> -> memref<16x128xf32, #tpu.memory_space<hbm>>
      tpu.enqueue_dma source(%dma_start3A_671 : memref<16x128xf32, #tpu.memory_space<hbm>>) target(%dma_start3A_669 : memref<16x128xf32, #tpu.memory_space<vmem>>) target_semaphore(%arg10 : memref<!tpu.dma_semaphore, #tpu.memory_space<semaphore_mem>>)
      %multiple_of3A_672 = tpu.assume_multiple %squeeze3A_560, 128 : i32
      %dma_start3A_673 = arith.constant 0 : i32
      %dma_start3A_674 = arith.constant 3200 : i32
      %dma_start3A_675 = tpu.memref_slice %arg7[%dma_start3A_673, %dma_start3A_674] : memref<16x4096xf32, #tpu.memory_space<vmem>> -> memref<16x128xf32, #tpu.memory_space<vmem>>
      %dma_start3A_676 = arith.constant 0 : i32
      %dma_start3A_677 = tpu.memref_slice %arg3[%dma_start3A_676, %multiple_of3A_672] : memref<16x1000000xf32, #tpu.memory_space<hbm>> -> memref<16x128xf32, #tpu.memory_space<hbm>>
      %dma_start3A_678 = arith.constant 0 : i32
      %dma_start3A_679 = arith.constant 3200 : i32
      %dma_start3A_680 = tpu.memref_slice %arg7[%dma_start3A_678, %dma_start3A_679] : memref<16x4096xf32, #tpu.memory_space<vmem>> -> memref<16x128xf32, #tpu.memory_space<vmem>>
      %dma_start3A_681 = arith.constant 0 : i32
      %dma_start3A_682 = tpu.memref_slice %arg3[%dma_start3A_681, %multiple_of3A_672] : memref<16x1000000xf32, #tpu.memory_space<hbm>> -> memref<16x128xf32, #tpu.memory_space<hbm>>
      tpu.enqueue_dma source(%dma_start3A_682 : memref<16x128xf32, #tpu.memory_space<hbm>>) target(%dma_start3A_680 : memref<16x128xf32, #tpu.memory_space<vmem>>) target_semaphore(%arg10 : memref<!tpu.dma_semaphore, #tpu.memory_space<semaphore_mem>>)
      %multiple_of3A_683 = tpu.assume_multiple %squeeze3A_562, 128 : i32
      %dma_start3A_684 = arith.constant 0 : i32
      %dma_start3A_685 = arith.constant 3328 : i32
      %dma_start3A_686 = tpu.memref_slice %arg7[%dma_start3A_684, %dma_start3A_685] : memref<16x4096xf32, #tpu.memory_space<vmem>> -> memref<16x128xf32, #tpu.memory_space<vmem>>
      %dma_start3A_687 = arith.constant 0 : i32
      %dma_start3A_688 = tpu.memref_slice %arg3[%dma_start3A_687, %multiple_of3A_683] : memref<16x1000000xf32, #tpu.memory_space<hbm>> -> memref<16x128xf32, #tpu.memory_space<hbm>>
      %dma_start3A_689 = arith.constant 0 : i32
      %dma_start3A_690 = arith.constant 3328 : i32
      %dma_start3A_691 = tpu.memref_slice %arg7[%dma_start3A_689, %dma_start3A_690] : memref<16x4096xf32, #tpu.memory_space<vmem>> -> memref<16x128xf32, #tpu.memory_space<vmem>>
      %dma_start3A_692 = arith.constant 0 : i32
      %dma_start3A_693 = tpu.memref_slice %arg3[%dma_start3A_692, %multiple_of3A_683] : memref<16x1000000xf32, #tpu.memory_space<hbm>> -> memref<16x128xf32, #tpu.memory_space<hbm>>
      tpu.enqueue_dma source(%dma_start3A_693 : memref<16x128xf32, #tpu.memory_space<hbm>>) target(%dma_start3A_691 : memref<16x128xf32, #tpu.memory_space<vmem>>) target_semaphore(%arg10 : memref<!tpu.dma_semaphore, #tpu.memory_space<semaphore_mem>>)
      %multiple_of3A_694 = tpu.assume_multiple %squeeze3A_564, 128 : i32
      %dma_start3A_695 = arith.constant 0 : i32
      %dma_start3A_696 = arith.constant 3456 : i32
      %dma_start3A_697 = tpu.memref_slice %arg7[%dma_start3A_695, %dma_start3A_696] : memref<16x4096xf32, #tpu.memory_space<vmem>> -> memref<16x128xf32, #tpu.memory_space<vmem>>
      %dma_start3A_698 = arith.constant 0 : i32
      %dma_start3A_699 = tpu.memref_slice %arg3[%dma_start3A_698, %multiple_of3A_694] : memref<16x1000000xf32, #tpu.memory_space<hbm>> -> memref<16x128xf32, #tpu.memory_space<hbm>>
      %dma_start3A_700 = arith.constant 0 : i32
      %dma_start3A_701 = arith.constant 3456 : i32
      %dma_start3A_702 = tpu.memref_slice %arg7[%dma_start3A_700, %dma_start3A_701] : memref<16x4096xf32, #tpu.memory_space<vmem>> -> memref<16x128xf32, #tpu.memory_space<vmem>>
      %dma_start3A_703 = arith.constant 0 : i32
      %dma_start3A_704 = tpu.memref_slice %arg3[%dma_start3A_703, %multiple_of3A_694] : memref<16x1000000xf32, #tpu.memory_space<hbm>> -> memref<16x128xf32, #tpu.memory_space<hbm>>
      tpu.enqueue_dma source(%dma_start3A_704 : memref<16x128xf32, #tpu.memory_space<hbm>>) target(%dma_start3A_702 : memref<16x128xf32, #tpu.memory_space<vmem>>) target_semaphore(%arg10 : memref<!tpu.dma_semaphore, #tpu.memory_space<semaphore_mem>>)
      %multiple_of3A_705 = tpu.assume_multiple %squeeze3A_566, 128 : i32
      %dma_start3A_706 = arith.constant 0 : i32
      %dma_start3A_707 = arith.constant 3584 : i32
      %dma_start3A_708 = tpu.memref_slice %arg7[%dma_start3A_706, %dma_start3A_707] : memref<16x4096xf32, #tpu.memory_space<vmem>> -> memref<16x128xf32, #tpu.memory_space<vmem>>
      %dma_start3A_709 = arith.constant 0 : i32
      %dma_start3A_710 = tpu.memref_slice %arg3[%dma_start3A_709, %multiple_of3A_705] : memref<16x1000000xf32, #tpu.memory_space<hbm>> -> memref<16x128xf32, #tpu.memory_space<hbm>>
      %dma_start3A_711 = arith.constant 0 : i32
      %dma_start3A_712 = arith.constant 3584 : i32
      %dma_start3A_713 = tpu.memref_slice %arg7[%dma_start3A_711, %dma_start3A_712] : memref<16x4096xf32, #tpu.memory_space<vmem>> -> memref<16x128xf32, #tpu.memory_space<vmem>>
      %dma_start3A_714 = arith.constant 0 : i32
      %dma_start3A_715 = tpu.memref_slice %arg3[%dma_start3A_714, %multiple_of3A_705] : memref<16x1000000xf32, #tpu.memory_space<hbm>> -> memref<16x128xf32, #tpu.memory_space<hbm>>
      tpu.enqueue_dma source(%dma_start3A_715 : memref<16x128xf32, #tpu.memory_space<hbm>>) target(%dma_start3A_713 : memref<16x128xf32, #tpu.memory_space<vmem>>) target_semaphore(%arg10 : memref<!tpu.dma_semaphore, #tpu.memory_space<semaphore_mem>>)
      %multiple_of3A_716 = tpu.assume_multiple %squeeze3A_568, 128 : i32
      %dma_start3A_717 = arith.constant 0 : i32
      %dma_start3A_718 = arith.constant 3712 : i32
      %dma_start3A_719 = tpu.memref_slice %arg7[%dma_start3A_717, %dma_start3A_718] : memref<16x4096xf32, #tpu.memory_space<vmem>> -> memref<16x128xf32, #tpu.memory_space<vmem>>
      %dma_start3A_720 = arith.constant 0 : i32
      %dma_start3A_721 = tpu.memref_slice %arg3[%dma_start3A_720, %multiple_of3A_716] : memref<16x1000000xf32, #tpu.memory_space<hbm>> -> memref<16x128xf32, #tpu.memory_space<hbm>>
      %dma_start3A_722 = arith.constant 0 : i32
      %dma_start3A_723 = arith.constant 3712 : i32
      %dma_start3A_724 = tpu.memref_slice %arg7[%dma_start3A_722, %dma_start3A_723] : memref<16x4096xf32, #tpu.memory_space<vmem>> -> memref<16x128xf32, #tpu.memory_space<vmem>>
      %dma_start3A_725 = arith.constant 0 : i32
      %dma_start3A_726 = tpu.memref_slice %arg3[%dma_start3A_725, %multiple_of3A_716] : memref<16x1000000xf32, #tpu.memory_space<hbm>> -> memref<16x128xf32, #tpu.memory_space<hbm>>
      tpu.enqueue_dma source(%dma_start3A_726 : memref<16x128xf32, #tpu.memory_space<hbm>>) target(%dma_start3A_724 : memref<16x128xf32, #tpu.memory_space<vmem>>) target_semaphore(%arg10 : memref<!tpu.dma_semaphore, #tpu.memory_space<semaphore_mem>>)
      %multiple_of3A_727 = tpu.assume_multiple %squeeze3A_570, 128 : i32
      %dma_start3A_728 = arith.constant 0 : i32
      %dma_start3A_729 = arith.constant 3840 : i32
      %dma_start3A_730 = tpu.memref_slice %arg7[%dma_start3A_728, %dma_start3A_729] : memref<16x4096xf32, #tpu.memory_space<vmem>> -> memref<16x128xf32, #tpu.memory_space<vmem>>
      %dma_start3A_731 = arith.constant 0 : i32
      %dma_start3A_732 = tpu.memref_slice %arg3[%dma_start3A_731, %multiple_of3A_727] : memref<16x1000000xf32, #tpu.memory_space<hbm>> -> memref<16x128xf32, #tpu.memory_space<hbm>>
      %dma_start3A_733 = arith.constant 0 : i32
      %dma_start3A_734 = arith.constant 3840 : i32
      %dma_start3A_735 = tpu.memref_slice %arg7[%dma_start3A_733, %dma_start3A_734] : memref<16x4096xf32, #tpu.memory_space<vmem>> -> memref<16x128xf32, #tpu.memory_space<vmem>>
      %dma_start3A_736 = arith.constant 0 : i32
      %dma_start3A_737 = tpu.memref_slice %arg3[%dma_start3A_736, %multiple_of3A_727] : memref<16x1000000xf32, #tpu.memory_space<hbm>> -> memref<16x128xf32, #tpu.memory_space<hbm>>
      tpu.enqueue_dma source(%dma_start3A_737 : memref<16x128xf32, #tpu.memory_space<hbm>>) target(%dma_start3A_735 : memref<16x128xf32, #tpu.memory_space<vmem>>) target_semaphore(%arg10 : memref<!tpu.dma_semaphore, #tpu.memory_space<semaphore_mem>>)
      %multiple_of3A_738 = tpu.assume_multiple %squeeze3A_572, 128 : i32
      %dma_start3A_739 = arith.constant 0 : i32
      %dma_start3A_740 = arith.constant 3968 : i32
      %dma_start3A_741 = tpu.memref_slice %arg7[%dma_start3A_739, %dma_start3A_740] : memref<16x4096xf32, #tpu.memory_space<vmem>> -> memref<16x128xf32, #tpu.memory_space<vmem>>
      %dma_start3A_742 = arith.constant 0 : i32
      %dma_start3A_743 = tpu.memref_slice %arg3[%dma_start3A_742, %multiple_of3A_738] : memref<16x1000000xf32, #tpu.memory_space<hbm>> -> memref<16x128xf32, #tpu.memory_space<hbm>>
      %dma_start3A_744 = arith.constant 0 : i32
      %dma_start3A_745 = arith.constant 3968 : i32
      %dma_start3A_746 = tpu.memref_slice %arg7[%dma_start3A_744, %dma_start3A_745] : memref<16x4096xf32, #tpu.memory_space<vmem>> -> memref<16x128xf32, #tpu.memory_space<vmem>>
      %dma_start3A_747 = arith.constant 0 : i32
      %dma_start3A_748 = tpu.memref_slice %arg3[%dma_start3A_747, %multiple_of3A_738] : memref<16x1000000xf32, #tpu.memory_space<hbm>> -> memref<16x128xf32, #tpu.memory_space<hbm>>
      tpu.enqueue_dma source(%dma_start3A_748 : memref<16x128xf32, #tpu.memory_space<hbm>>) target(%dma_start3A_746 : memref<16x128xf32, #tpu.memory_space<vmem>>) target_semaphore(%arg10 : memref<!tpu.dma_semaphore, #tpu.memory_space<semaphore_mem>>)
      %dma_wait3A = arith.constant 0 : i32
      %dma_wait3A_749 = arith.constant 0 : i32
      %dma_wait3A_750 = tpu.memref_slice %arg7[%dma_wait3A, %dma_wait3A_749] : memref<16x4096xf32, #tpu.memory_space<vmem>> -> memref<16x2048xf32, #tpu.memory_space<vmem>>
      %dma_wait3A_751 = arith.constant 0 : i32
      %dma_wait3A_752 = arith.constant 0 : i32
      %dma_wait3A_753 = tpu.memref_slice %arg3[%dma_wait3A_751, %dma_wait3A_752] : memref<16x1000000xf32, #tpu.memory_space<hbm>> -> memref<16x2048xf32, #tpu.memory_space<hbm>>
      %dma_wait3A_754 = arith.constant 0 : i32
      %dma_wait3A_755 = arith.constant 0 : i32
      %dma_wait3A_756 = tpu.memref_slice %arg7[%dma_wait3A_754, %dma_wait3A_755] : memref<16x4096xf32, #tpu.memory_space<vmem>> -> memref<16x2048xf32, #tpu.memory_space<vmem>>
      %dma_wait3A_757 = arith.constant 0 : i32
      %dma_wait3A_758 = arith.constant 0 : i32
      %dma_wait3A_759 = tpu.memref_slice %arg3[%dma_wait3A_757, %dma_wait3A_758] : memref<16x1000000xf32, #tpu.memory_space<hbm>> -> memref<16x2048xf32, #tpu.memory_space<hbm>>
      tpu.wait_dma2 semaphore(%arg9 : memref<!tpu.dma_semaphore, #tpu.memory_space<semaphore_mem>>) src(%dma_wait3A_759 : memref<16x2048xf32, #tpu.memory_space<hbm>>) dst(%dma_wait3A_756 : memref<16x2048xf32, #tpu.memory_space<vmem>>)
      %mul3A_760 = arith.constant 16 : i32
      %mul3A_761 = arith.muli %mul3A_534, %mul3A_760 : i32
      %get3A_762 = arith.index_cast %mul3A_761 : i32 to index
      %get3A_763 = tpu.vector_load %arg5[%get3A_762] {strides = array<i32>} : memref<512xi32, #tpu.memory_space<vmem>>, vector<16xi32>,
      %mul3A_764 = arith.constant 128 : i32
      %mul3A_765 = vector.broadcast %mul3A_764 : i32 to vector<16xi32>
      %mul3A_766 = arith.muli %iota3A, %mul3A_765 : vector<16xi32>
      %add3A_767 = arith.constant 0 : i32
      %add3A_768 = vector.broadcast %add3A_767 : i32 to vector<16xi32>
      %add3A_769 = arith.addi %add3A_768, %mul3A_766 : vector<16xi32>
      %and3A = arith.constant 127 : i32
      %and3A_770 = vector.broadcast %and3A : i32 to vector<16xi32>
      %and3A_771 = arith.andi %get3A_763, %and3A_770 : vector<16xi32>
      %add3A_772 = arith.addi %add3A_769, %and3A_771 : vector<16xi32>
      %add3A_773 = vector.broadcast %mul3A_761 : i32 to vector<16xi32>
      %add3A_774 = arith.addi %add3A_773, %iota3A : vector<16xi32>
      %mul3A_775 = arith.constant 16 : i32
      %mul3A_776 = vector.broadcast %mul3A_775 : i32 to vector<16xi32>
      %mul3A_777 = arith.muli %add3A_774, %mul3A_776 : vector<16xi32>
      %broadcast_in_dim3A = arith.constant 0 : i32
      %broadcast_in_dim3A_778 = vector.broadcast %broadcast_in_dim3A : i32 to vector<16xi32>
      %gather3A = tpu.vector_load_idx %arg7[%broadcast_in_dim3A_778, %add3A_772] : memref<16x4096xf32, #tpu.memory_space<vmem>>[vector<16xi32>, vector<16xi32>], vector<16xf32>,
      %add3A_779 = arith.constant 0 : i32
      %add3A_780 = vector.broadcast %add3A_779 : i32 to vector<16xi32>
      %add3A_781 = arith.addi %mul3A_777, %add3A_780 : vector<16xi32>
      tpu.vector_store_idx %arg8[%add3A_781], %gather3A : memref<8192xf32, #tpu.memory_space<vmem>>[vector<16xi32>], vector<16xf32>,
      %broadcast_in_dim3A_782 = arith.constant 1 : i32
      %broadcast_in_dim3A_783 = vector.broadcast %broadcast_in_dim3A_782 : i32 to vector<16xi32>
      %gather3A_784 = tpu.vector_load_idx %arg7[%broadcast_in_dim3A_783, %add3A_772] : memref<16x4096xf32, #tpu.memory_space<vmem>>[vector<16xi32>, vector<16xi32>], vector<16xf32>,
      %add3A_785 = arith.constant 1 : i32
      %add3A_786 = vector.broadcast %add3A_785 : i32 to vector<16xi32>
      %add3A_787 = arith.addi %mul3A_777, %add3A_786 : vector<16xi32>
      tpu.vector_store_idx %arg8[%add3A_787], %gather3A_784 : memref<8192xf32, #tpu.memory_space<vmem>>[vector<16xi32>], vector<16xf32>,
      %broadcast_in_dim3A_788 = arith.constant 2 : i32
      %broadcast_in_dim3A_789 = vector.broadcast %broadcast_in_dim3A_788 : i32 to vector<16xi32>
      %gather3A_790 = tpu.vector_load_idx %arg7[%broadcast_in_dim3A_789, %add3A_772] : memref<16x4096xf32, #tpu.memory_space<vmem>>[vector<16xi32>, vector<16xi32>], vector<16xf32>,
      %add3A_791 = arith.constant 2 : i32
      %add3A_792 = vector.broadcast %add3A_791 : i32 to vector<16xi32>
      %add3A_793 = arith.addi %mul3A_777, %add3A_792 : vector<16xi32>
      tpu.vector_store_idx %arg8[%add3A_793], %gather3A_790 : memref<8192xf32, #tpu.memory_space<vmem>>[vector<16xi32>], vector<16xf32>,
      %broadcast_in_dim3A_794 = arith.constant 3 : i32
      %broadcast_in_dim3A_795 = vector.broadcast %broadcast_in_dim3A_794 : i32 to vector<16xi32>
      %gather3A_796 = tpu.vector_load_idx %arg7[%broadcast_in_dim3A_795, %add3A_772] : memref<16x4096xf32, #tpu.memory_space<vmem>>[vector<16xi32>, vector<16xi32>], vector<16xf32>,
      %add3A_797 = arith.constant 3 : i32
      %add3A_798 = vector.broadcast %add3A_797 : i32 to vector<16xi32>
      %add3A_799 = arith.addi %mul3A_777, %add3A_798 : vector<16xi32>
      tpu.vector_store_idx %arg8[%add3A_799], %gather3A_796 : memref<8192xf32, #tpu.memory_space<vmem>>[vector<16xi32>], vector<16xf32>,
      %broadcast_in_dim3A_800 = arith.constant 4 : i32
      %broadcast_in_dim3A_801 = vector.broadcast %broadcast_in_dim3A_800 : i32 to vector<16xi32>
      %gather3A_802 = tpu.vector_load_idx %arg7[%broadcast_in_dim3A_801, %add3A_772] : memref<16x4096xf32, #tpu.memory_space<vmem>>[vector<16xi32>, vector<16xi32>], vector<16xf32>,
      %add3A_803 = arith.constant 4 : i32
      %add3A_804 = vector.broadcast %add3A_803 : i32 to vector<16xi32>
      %add3A_805 = arith.addi %mul3A_777, %add3A_804 : vector<16xi32>
      tpu.vector_store_idx %arg8[%add3A_805], %gather3A_802 : memref<8192xf32, #tpu.memory_space<vmem>>[vector<16xi32>], vector<16xf32>,
      %broadcast_in_dim3A_806 = arith.constant 5 : i32
      %broadcast_in_dim3A_807 = vector.broadcast %broadcast_in_dim3A_806 : i32 to vector<16xi32>
      %gather3A_808 = tpu.vector_load_idx %arg7[%broadcast_in_dim3A_807, %add3A_772] : memref<16x4096xf32, #tpu.memory_space<vmem>>[vector<16xi32>, vector<16xi32>], vector<16xf32>,
      %add3A_809 = arith.constant 5 : i32
      %add3A_810 = vector.broadcast %add3A_809 : i32 to vector<16xi32>
      %add3A_811 = arith.addi %mul3A_777, %add3A_810 : vector<16xi32>
      tpu.vector_store_idx %arg8[%add3A_811], %gather3A_808 : memref<8192xf32, #tpu.memory_space<vmem>>[vector<16xi32>], vector<16xf32>,
      %broadcast_in_dim3A_812 = arith.constant 6 : i32
      %broadcast_in_dim3A_813 = vector.broadcast %broadcast_in_dim3A_812 : i32 to vector<16xi32>
      %gather3A_814 = tpu.vector_load_idx %arg7[%broadcast_in_dim3A_813, %add3A_772] : memref<16x4096xf32, #tpu.memory_space<vmem>>[vector<16xi32>, vector<16xi32>], vector<16xf32>,
      %add3A_815 = arith.constant 6 : i32
      %add3A_816 = vector.broadcast %add3A_815 : i32 to vector<16xi32>
      %add3A_817 = arith.addi %mul3A_777, %add3A_816 : vector<16xi32>
      tpu.vector_store_idx %arg8[%add3A_817], %gather3A_814 : memref<8192xf32, #tpu.memory_space<vmem>>[vector<16xi32>], vector<16xf32>,
      %broadcast_in_dim3A_818 = arith.constant 7 : i32
      %broadcast_in_dim3A_819 = vector.broadcast %broadcast_in_dim3A_818 : i32 to vector<16xi32>
      %gather3A_820 = tpu.vector_load_idx %arg7[%broadcast_in_dim3A_819, %add3A_772] : memref<16x4096xf32, #tpu.memory_space<vmem>>[vector<16xi32>, vector<16xi32>], vector<16xf32>,
      %add3A_821 = arith.constant 7 : i32
      %add3A_822 = vector.broadcast %add3A_821 : i32 to vector<16xi32>
      %add3A_823 = arith.addi %mul3A_777, %add3A_822 : vector<16xi32>
      tpu.vector_store_idx %arg8[%add3A_823], %gather3A_820 : memref<8192xf32, #tpu.memory_space<vmem>>[vector<16xi32>], vector<16xf32>,
      %broadcast_in_dim3A_824 = arith.constant 8 : i32
      %broadcast_in_dim3A_825 = vector.broadcast %broadcast_in_dim3A_824 : i32 to vector<16xi32>
      %gather3A_826 = tpu.vector_load_idx %arg7[%broadcast_in_dim3A_825, %add3A_772] : memref<16x4096xf32, #tpu.memory_space<vmem>>[vector<16xi32>, vector<16xi32>], vector<16xf32>,
      %add3A_827 = arith.constant 8 : i32
      %add3A_828 = vector.broadcast %add3A_827 : i32 to vector<16xi32>
      %add3A_829 = arith.addi %mul3A_777, %add3A_828 : vector<16xi32>
      tpu.vector_store_idx %arg8[%add3A_829], %gather3A_826 : memref<8192xf32, #tpu.memory_space<vmem>>[vector<16xi32>], vector<16xf32>,
      %broadcast_in_dim3A_830 = arith.constant 9 : i32
      %broadcast_in_dim3A_831 = vector.broadcast %broadcast_in_dim3A_830 : i32 to vector<16xi32>
      %gather3A_832 = tpu.vector_load_idx %arg7[%broadcast_in_dim3A_831, %add3A_772] : memref<16x4096xf32, #tpu.memory_space<vmem>>[vector<16xi32>, vector<16xi32>], vector<16xf32>,
      %add3A_833 = arith.constant 9 : i32
      %add3A_834 = vector.broadcast %add3A_833 : i32 to vector<16xi32>
      %add3A_835 = arith.addi %mul3A_777, %add3A_834 : vector<16xi32>
      tpu.vector_store_idx %arg8[%add3A_835], %gather3A_832 : memref<8192xf32, #tpu.memory_space<vmem>>[vector<16xi32>], vector<16xf32>,
      %broadcast_in_dim3A_836 = arith.constant 10 : i32
      %broadcast_in_dim3A_837 = vector.broadcast %broadcast_in_dim3A_836 : i32 to vector<16xi32>
      %gather3A_838 = tpu.vector_load_idx %arg7[%broadcast_in_dim3A_837, %add3A_772] : memref<16x4096xf32, #tpu.memory_space<vmem>>[vector<16xi32>, vector<16xi32>], vector<16xf32>,
      %add3A_839 = arith.constant 10 : i32
      %add3A_840 = vector.broadcast %add3A_839 : i32 to vector<16xi32>
      %add3A_841 = arith.addi %mul3A_777, %add3A_840 : vector<16xi32>
      tpu.vector_store_idx %arg8[%add3A_841], %gather3A_838 : memref<8192xf32, #tpu.memory_space<vmem>>[vector<16xi32>], vector<16xf32>,
      %broadcast_in_dim3A_842 = arith.constant 11 : i32
      %broadcast_in_dim3A_843 = vector.broadcast %broadcast_in_dim3A_842 : i32 to vector<16xi32>
      %gather3A_844 = tpu.vector_load_idx %arg7[%broadcast_in_dim3A_843, %add3A_772] : memref<16x4096xf32, #tpu.memory_space<vmem>>[vector<16xi32>, vector<16xi32>], vector<16xf32>,
      %add3A_845 = arith.constant 11 : i32
      %add3A_846 = vector.broadcast %add3A_845 : i32 to vector<16xi32>
      %add3A_847 = arith.addi %mul3A_777, %add3A_846 : vector<16xi32>
      tpu.vector_store_idx %arg8[%add3A_847], %gather3A_844 : memref<8192xf32, #tpu.memory_space<vmem>>[vector<16xi32>], vector<16xf32>,
      %broadcast_in_dim3A_848 = arith.constant 12 : i32
      %broadcast_in_dim3A_849 = vector.broadcast %broadcast_in_dim3A_848 : i32 to vector<16xi32>
      %gather3A_850 = tpu.vector_load_idx %arg7[%broadcast_in_dim3A_849, %add3A_772] : memref<16x4096xf32, #tpu.memory_space<vmem>>[vector<16xi32>, vector<16xi32>], vector<16xf32>,
      %add3A_851 = arith.constant 12 : i32
      %add3A_852 = vector.broadcast %add3A_851 : i32 to vector<16xi32>
      %add3A_853 = arith.addi %mul3A_777, %add3A_852 : vector<16xi32>
      tpu.vector_store_idx %arg8[%add3A_853], %gather3A_850 : memref<8192xf32, #tpu.memory_space<vmem>>[vector<16xi32>], vector<16xf32>,
      %broadcast_in_dim3A_854 = arith.constant 13 : i32
      %broadcast_in_dim3A_855 = vector.broadcast %broadcast_in_dim3A_854 : i32 to vector<16xi32>
      %gather3A_856 = tpu.vector_load_idx %arg7[%broadcast_in_dim3A_855, %add3A_772] : memref<16x4096xf32, #tpu.memory_space<vmem>>[vector<16xi32>, vector<16xi32>], vector<16xf32>,
      %add3A_857 = arith.constant 13 : i32
      %add3A_858 = vector.broadcast %add3A_857 : i32 to vector<16xi32>
      %add3A_859 = arith.addi %mul3A_777, %add3A_858 : vector<16xi32>
      tpu.vector_store_idx %arg8[%add3A_859], %gather3A_856 : memref<8192xf32, #tpu.memory_space<vmem>>[vector<16xi32>], vector<16xf32>,
      %broadcast_in_dim3A_860 = arith.constant 14 : i32
      %broadcast_in_dim3A_861 = vector.broadcast %broadcast_in_dim3A_860 : i32 to vector<16xi32>
      %gather3A_862 = tpu.vector_load_idx %arg7[%broadcast_in_dim3A_861, %add3A_772] : memref<16x4096xf32, #tpu.memory_space<vmem>>[vector<16xi32>, vector<16xi32>], vector<16xf32>,
      %add3A_863 = arith.constant 14 : i32
      %add3A_864 = vector.broadcast %add3A_863 : i32 to vector<16xi32>
      %add3A_865 = arith.addi %mul3A_777, %add3A_864 : vector<16xi32>
      tpu.vector_store_idx %arg8[%add3A_865], %gather3A_862 : memref<8192xf32, #tpu.memory_space<vmem>>[vector<16xi32>], vector<16xf32>,
      %broadcast_in_dim3A_866 = arith.constant 15 : i32
      %broadcast_in_dim3A_867 = vector.broadcast %broadcast_in_dim3A_866 : i32 to vector<16xi32>
      %gather3A_868 = tpu.vector_load_idx %arg7[%broadcast_in_dim3A_867, %add3A_772] : memref<16x4096xf32, #tpu.memory_space<vmem>>[vector<16xi32>, vector<16xi32>], vector<16xf32>,
      %add3A_869 = arith.constant 15 : i32
      %add3A_870 = vector.broadcast %add3A_869 : i32 to vector<16xi32>
      %add3A_871 = arith.addi %mul3A_777, %add3A_870 : vector<16xi32>
      tpu.vector_store_idx %arg8[%add3A_871], %gather3A_868 : memref<8192xf32, #tpu.memory_space<vmem>>[vector<16xi32>], vector<16xf32>,
      %lt3A = arith.constant 15 : i32
      %lt3A_872 = arith.cmpi slt, %scan3A_532, %lt3A : i32
      %convert_element_type3A = arith.extui %lt3A_872 : i1 to i32
      %cond3A = arith.constant 0 : i32
      %cond3A_873 = arith.cmpi ne, %convert_element_type3A, %cond3A : i32
      scf.if %cond3A_873 {
        %add3A_1003 = arith.constant 2 : i32
        %add3A_1004 = arith.addi %mul3A_534, %add3A_1003 : i32
        %mul3A_1005 = arith.constant 16 : i32
        %mul3A_1006 = arith.muli %add3A_1004, %mul3A_1005 : i32
        %get3A_1007 = arith.index_cast %mul3A_1006 : i32 to index
        %get3A_1008 = tpu.vector_load %arg6[%get3A_1007] {strides = array<i32>} : memref<512xi32, #tpu.memory_space<vmem>>, vector<16xi32>,
        %slice3A_1009 = vector.extract_strided_slice %get3A_1008 {offsets = [0], sizes = [1], strides = [1]} : vector<16xi32> to vector<1xi32>
        %squeeze3A_1010 = vector.extract %slice3A_1009[0] : i32 from vector<1xi32>
        %slice3A_1011 = vector.extract_strided_slice %get3A_1008 {offsets = [1], sizes = [1], strides = [1]} : vector<16xi32> to vector<1xi32>
        %squeeze3A_1012 = vector.extract %slice3A_1011[0] : i32 from vector<1xi32>
        %slice3A_1013 = vector.extract_strided_slice %get3A_1008 {offsets = [2], sizes = [1], strides = [1]} : vector<16xi32> to vector<1xi32>
        %squeeze3A_1014 = vector.extract %slice3A_1013[0] : i32 from vector<1xi32>
        %slice3A_1015 = vector.extract_strided_slice %get3A_1008 {offsets = [3], sizes = [1], strides = [1]} : vector<16xi32> to vector<1xi32>
        %squeeze3A_1016 = vector.extract %slice3A_1015[0] : i32 from vector<1xi32>
        %slice3A_1017 = vector.extract_strided_slice %get3A_1008 {offsets = [4], sizes = [1], strides = [1]} : vector<16xi32> to vector<1xi32>
        %squeeze3A_1018 = vector.extract %slice3A_1017[0] : i32 from vector<1xi32>
        %slice3A_1019 = vector.extract_strided_slice %get3A_1008 {offsets = [5], sizes = [1], strides = [1]} : vector<16xi32> to vector<1xi32>
        %squeeze3A_1020 = vector.extract %slice3A_1019[0] : i32 from vector<1xi32>
        %slice3A_1021 = vector.extract_strided_slice %get3A_1008 {offsets = [6], sizes = [1], strides = [1]} : vector<16xi32> to vector<1xi32>
        %squeeze3A_1022 = vector.extract %slice3A_1021[0] : i32 from vector<1xi32>
        %slice3A_1023 = vector.extract_strided_slice %get3A_1008 {offsets = [7], sizes = [1], strides = [1]} : vector<16xi32> to vector<1xi32>
        %squeeze3A_1024 = vector.extract %slice3A_1023[0] : i32 from vector<1xi32>
        %slice3A_1025 = vector.extract_strided_slice %get3A_1008 {offsets = [8], sizes = [1], strides = [1]} : vector<16xi32> to vector<1xi32>
        %squeeze3A_1026 = vector.extract %slice3A_1025[0] : i32 from vector<1xi32>
        %slice3A_1027 = vector.extract_strided_slice %get3A_1008 {offsets = [9], sizes = [1], strides = [1]} : vector<16xi32> to vector<1xi32>
        %squeeze3A_1028 = vector.extract %slice3A_1027[0] : i32 from vector<1xi32>
        %slice3A_1029 = vector.extract_strided_slice %get3A_1008 {offsets = [10], sizes = [1], strides = [1]} : vector<16xi32> to vector<1xi32>
        %squeeze3A_1030 = vector.extract %slice3A_1029[0] : i32 from vector<1xi32>
        %slice3A_1031 = vector.extract_strided_slice %get3A_1008 {offsets = [11], sizes = [1], strides = [1]} : vector<16xi32> to vector<1xi32>
        %squeeze3A_1032 = vector.extract %slice3A_1031[0] : i32 from vector<1xi32>
        %slice3A_1033 = vector.extract_strided_slice %get3A_1008 {offsets = [12], sizes = [1], strides = [1]} : vector<16xi32> to vector<1xi32>
        %squeeze3A_1034 = vector.extract %slice3A_1033[0] : i32 from vector<1xi32>
        %slice3A_1035 = vector.extract_strided_slice %get3A_1008 {offsets = [13], sizes = [1], strides = [1]} : vector<16xi32> to vector<1xi32>
        %squeeze3A_1036 = vector.extract %slice3A_1035[0] : i32 from vector<1xi32>
        %slice3A_1037 = vector.extract_strided_slice %get3A_1008 {offsets = [14], sizes = [1], strides = [1]} : vector<16xi32> to vector<1xi32>
        %squeeze3A_1038 = vector.extract %slice3A_1037[0] : i32 from vector<1xi32>
        %slice3A_1039 = vector.extract_strided_slice %get3A_1008 {offsets = [15], sizes = [1], strides = [1]} : vector<16xi32> to vector<1xi32>
        %squeeze3A_1040 = vector.extract %slice3A_1039[0] : i32 from vector<1xi32>
        %multiple_of3A_1041 = tpu.assume_multiple %squeeze3A_1010, 128 : i32
        %dma_start3A_1042 = arith.constant 0 : i32
        %dma_start3A_1043 = arith.constant 0 : i32
        %dma_start3A_1044 = tpu.memref_slice %arg7[%dma_start3A_1042, %dma_start3A_1043] : memref<16x4096xf32, #tpu.memory_space<vmem>> -> memref<16x128xf32, #tpu.memory_space<vmem>>
        %dma_start3A_1045 = arith.constant 0 : i32
        %dma_start3A_1046 = tpu.memref_slice %arg3[%dma_start3A_1045, %multiple_of3A_1041] : memref<16x1000000xf32, #tpu.memory_space<hbm>> -> memref<16x128xf32, #tpu.memory_space<hbm>>
        %dma_start3A_1047 = arith.constant 0 : i32
        %dma_start3A_1048 = arith.constant 0 : i32
        %dma_start3A_1049 = tpu.memref_slice %arg7[%dma_start3A_1047, %dma_start3A_1048] : memref<16x4096xf32, #tpu.memory_space<vmem>> -> memref<16x128xf32, #tpu.memory_space<vmem>>
        %dma_start3A_1050 = arith.constant 0 : i32
        %dma_start3A_1051 = tpu.memref_slice %arg3[%dma_start3A_1050, %multiple_of3A_1041] : memref<16x1000000xf32, #tpu.memory_space<hbm>> -> memref<16x128xf32, #tpu.memory_space<hbm>>
        tpu.enqueue_dma source(%dma_start3A_1051 : memref<16x128xf32, #tpu.memory_space<hbm>>) target(%dma_start3A_1049 : memref<16x128xf32, #tpu.memory_space<vmem>>) target_semaphore(%arg9 : memref<!tpu.dma_semaphore, #tpu.memory_space<semaphore_mem>>)
        %multiple_of3A_1052 = tpu.assume_multiple %squeeze3A_1012, 128 : i32
        %dma_start3A_1053 = arith.constant 0 : i32
        %dma_start3A_1054 = arith.constant 128 : i32
        %dma_start3A_1055 = tpu.memref_slice %arg7[%dma_start3A_1053, %dma_start3A_1054] : memref<16x4096xf32, #tpu.memory_space<vmem>> -> memref<16x128xf32, #tpu.memory_space<vmem>>
        %dma_start3A_1056 = arith.constant 0 : i32
        %dma_start3A_1057 = tpu.memref_slice %arg3[%dma_start3A_1056, %multiple_of3A_1052] : memref<16x1000000xf32, #tpu.memory_space<hbm>> -> memref<16x128xf32, #tpu.memory_space<hbm>>
        %dma_start3A_1058 = arith.constant 0 : i32
        %dma_start3A_1059 = arith.constant 128 : i32
        %dma_start3A_1060 = tpu.memref_slice %arg7[%dma_start3A_1058, %dma_start3A_1059] : memref<16x4096xf32, #tpu.memory_space<vmem>> -> memref<16x128xf32, #tpu.memory_space<vmem>>
        %dma_start3A_1061 = arith.constant 0 : i32
        %dma_start3A_1062 = tpu.memref_slice %arg3[%dma_start3A_1061, %multiple_of3A_1052] : memref<16x1000000xf32, #tpu.memory_space<hbm>> -> memref<16x128xf32, #tpu.memory_space<hbm>>
        tpu.enqueue_dma source(%dma_start3A_1062 : memref<16x128xf32, #tpu.memory_space<hbm>>) target(%dma_start3A_1060 : memref<16x128xf32, #tpu.memory_space<vmem>>) target_semaphore(%arg9 : memref<!tpu.dma_semaphore, #tpu.memory_space<semaphore_mem>>)
        %multiple_of3A_1063 = tpu.assume_multiple %squeeze3A_1014, 128 : i32
        %dma_start3A_1064 = arith.constant 0 : i32
        %dma_start3A_1065 = arith.constant 256 : i32
        %dma_start3A_1066 = tpu.memref_slice %arg7[%dma_start3A_1064, %dma_start3A_1065] : memref<16x4096xf32, #tpu.memory_space<vmem>> -> memref<16x128xf32, #tpu.memory_space<vmem>>
        %dma_start3A_1067 = arith.constant 0 : i32
        %dma_start3A_1068 = tpu.memref_slice %arg3[%dma_start3A_1067, %multiple_of3A_1063] : memref<16x1000000xf32, #tpu.memory_space<hbm>> -> memref<16x128xf32, #tpu.memory_space<hbm>>
        %dma_start3A_1069 = arith.constant 0 : i32
        %dma_start3A_1070 = arith.constant 256 : i32
        %dma_start3A_1071 = tpu.memref_slice %arg7[%dma_start3A_1069, %dma_start3A_1070] : memref<16x4096xf32, #tpu.memory_space<vmem>> -> memref<16x128xf32, #tpu.memory_space<vmem>>
        %dma_start3A_1072 = arith.constant 0 : i32
        %dma_start3A_1073 = tpu.memref_slice %arg3[%dma_start3A_1072, %multiple_of3A_1063] : memref<16x1000000xf32, #tpu.memory_space<hbm>> -> memref<16x128xf32, #tpu.memory_space<hbm>>
        tpu.enqueue_dma source(%dma_start3A_1073 : memref<16x128xf32, #tpu.memory_space<hbm>>) target(%dma_start3A_1071 : memref<16x128xf32, #tpu.memory_space<vmem>>) target_semaphore(%arg9 : memref<!tpu.dma_semaphore, #tpu.memory_space<semaphore_mem>>)
        %multiple_of3A_1074 = tpu.assume_multiple %squeeze3A_1016, 128 : i32
        %dma_start3A_1075 = arith.constant 0 : i32
        %dma_start3A_1076 = arith.constant 384 : i32
        %dma_start3A_1077 = tpu.memref_slice %arg7[%dma_start3A_1075, %dma_start3A_1076] : memref<16x4096xf32, #tpu.memory_space<vmem>> -> memref<16x128xf32, #tpu.memory_space<vmem>>
        %dma_start3A_1078 = arith.constant 0 : i32
        %dma_start3A_1079 = tpu.memref_slice %arg3[%dma_start3A_1078, %multiple_of3A_1074] : memref<16x1000000xf32, #tpu.memory_space<hbm>> -> memref<16x128xf32, #tpu.memory_space<hbm>>
        %dma_start3A_1080 = arith.constant 0 : i32
        %dma_start3A_1081 = arith.constant 384 : i32
        %dma_start3A_1082 = tpu.memref_slice %arg7[%dma_start3A_1080, %dma_start3A_1081] : memref<16x4096xf32, #tpu.memory_space<vmem>> -> memref<16x128xf32, #tpu.memory_space<vmem>>
        %dma_start3A_1083 = arith.constant 0 : i32
        %dma_start3A_1084 = tpu.memref_slice %arg3[%dma_start3A_1083, %multiple_of3A_1074] : memref<16x1000000xf32, #tpu.memory_space<hbm>> -> memref<16x128xf32, #tpu.memory_space<hbm>>
        tpu.enqueue_dma source(%dma_start3A_1084 : memref<16x128xf32, #tpu.memory_space<hbm>>) target(%dma_start3A_1082 : memref<16x128xf32, #tpu.memory_space<vmem>>) target_semaphore(%arg9 : memref<!tpu.dma_semaphore, #tpu.memory_space<semaphore_mem>>)
        %multiple_of3A_1085 = tpu.assume_multiple %squeeze3A_1018, 128 : i32
        %dma_start3A_1086 = arith.constant 0 : i32
        %dma_start3A_1087 = arith.constant 512 : i32
        %dma_start3A_1088 = tpu.memref_slice %arg7[%dma_start3A_1086, %dma_start3A_1087] : memref<16x4096xf32, #tpu.memory_space<vmem>> -> memref<16x128xf32, #tpu.memory_space<vmem>>
        %dma_start3A_1089 = arith.constant 0 : i32
        %dma_start3A_1090 = tpu.memref_slice %arg3[%dma_start3A_1089, %multiple_of3A_1085] : memref<16x1000000xf32, #tpu.memory_space<hbm>> -> memref<16x128xf32, #tpu.memory_space<hbm>>
        %dma_start3A_1091 = arith.constant 0 : i32
        %dma_start3A_1092 = arith.constant 512 : i32
        %dma_start3A_1093 = tpu.memref_slice %arg7[%dma_start3A_1091, %dma_start3A_1092] : memref<16x4096xf32, #tpu.memory_space<vmem>> -> memref<16x128xf32, #tpu.memory_space<vmem>>
        %dma_start3A_1094 = arith.constant 0 : i32
        %dma_start3A_1095 = tpu.memref_slice %arg3[%dma_start3A_1094, %multiple_of3A_1085] : memref<16x1000000xf32, #tpu.memory_space<hbm>> -> memref<16x128xf32, #tpu.memory_space<hbm>>
        tpu.enqueue_dma source(%dma_start3A_1095 : memref<16x128xf32, #tpu.memory_space<hbm>>) target(%dma_start3A_1093 : memref<16x128xf32, #tpu.memory_space<vmem>>) target_semaphore(%arg9 : memref<!tpu.dma_semaphore, #tpu.memory_space<semaphore_mem>>)
        %multiple_of3A_1096 = tpu.assume_multiple %squeeze3A_1020, 128 : i32
        %dma_start3A_1097 = arith.constant 0 : i32
        %dma_start3A_1098 = arith.constant 640 : i32
        %dma_start3A_1099 = tpu.memref_slice %arg7[%dma_start3A_1097, %dma_start3A_1098] : memref<16x4096xf32, #tpu.memory_space<vmem>> -> memref<16x128xf32, #tpu.memory_space<vmem>>
        %dma_start3A_1100 = arith.constant 0 : i32
        %dma_start3A_1101 = tpu.memref_slice %arg3[%dma_start3A_1100, %multiple_of3A_1096] : memref<16x1000000xf32, #tpu.memory_space<hbm>> -> memref<16x128xf32, #tpu.memory_space<hbm>>
        %dma_start3A_1102 = arith.constant 0 : i32
        %dma_start3A_1103 = arith.constant 640 : i32
        %dma_start3A_1104 = tpu.memref_slice %arg7[%dma_start3A_1102, %dma_start3A_1103] : memref<16x4096xf32, #tpu.memory_space<vmem>> -> memref<16x128xf32, #tpu.memory_space<vmem>>
        %dma_start3A_1105 = arith.constant 0 : i32
        %dma_start3A_1106 = tpu.memref_slice %arg3[%dma_start3A_1105, %multiple_of3A_1096] : memref<16x1000000xf32, #tpu.memory_space<hbm>> -> memref<16x128xf32, #tpu.memory_space<hbm>>
        tpu.enqueue_dma source(%dma_start3A_1106 : memref<16x128xf32, #tpu.memory_space<hbm>>) target(%dma_start3A_1104 : memref<16x128xf32, #tpu.memory_space<vmem>>) target_semaphore(%arg9 : memref<!tpu.dma_semaphore, #tpu.memory_space<semaphore_mem>>)
        %multiple_of3A_1107 = tpu.assume_multiple %squeeze3A_1022, 128 : i32
        %dma_start3A_1108 = arith.constant 0 : i32
        %dma_start3A_1109 = arith.constant 768 : i32
        %dma_start3A_1110 = tpu.memref_slice %arg7[%dma_start3A_1108, %dma_start3A_1109] : memref<16x4096xf32, #tpu.memory_space<vmem>> -> memref<16x128xf32, #tpu.memory_space<vmem>>
        %dma_start3A_1111 = arith.constant 0 : i32
        %dma_start3A_1112 = tpu.memref_slice %arg3[%dma_start3A_1111, %multiple_of3A_1107] : memref<16x1000000xf32, #tpu.memory_space<hbm>> -> memref<16x128xf32, #tpu.memory_space<hbm>>
        %dma_start3A_1113 = arith.constant 0 : i32
        %dma_start3A_1114 = arith.constant 768 : i32
        %dma_start3A_1115 = tpu.memref_slice %arg7[%dma_start3A_1113, %dma_start3A_1114] : memref<16x4096xf32, #tpu.memory_space<vmem>> -> memref<16x128xf32, #tpu.memory_space<vmem>>
        %dma_start3A_1116 = arith.constant 0 : i32
        %dma_start3A_1117 = tpu.memref_slice %arg3[%dma_start3A_1116, %multiple_of3A_1107] : memref<16x1000000xf32, #tpu.memory_space<hbm>> -> memref<16x128xf32, #tpu.memory_space<hbm>>
        tpu.enqueue_dma source(%dma_start3A_1117 : memref<16x128xf32, #tpu.memory_space<hbm>>) target(%dma_start3A_1115 : memref<16x128xf32, #tpu.memory_space<vmem>>) target_semaphore(%arg9 : memref<!tpu.dma_semaphore, #tpu.memory_space<semaphore_mem>>)
        %multiple_of3A_1118 = tpu.assume_multiple %squeeze3A_1024, 128 : i32
        %dma_start3A_1119 = arith.constant 0 : i32
        %dma_start3A_1120 = arith.constant 896 : i32
        %dma_start3A_1121 = tpu.memref_slice %arg7[%dma_start3A_1119, %dma_start3A_1120] : memref<16x4096xf32, #tpu.memory_space<vmem>> -> memref<16x128xf32, #tpu.memory_space<vmem>>
        %dma_start3A_1122 = arith.constant 0 : i32
        %dma_start3A_1123 = tpu.memref_slice %arg3[%dma_start3A_1122, %multiple_of3A_1118] : memref<16x1000000xf32, #tpu.memory_space<hbm>> -> memref<16x128xf32, #tpu.memory_space<hbm>>
        %dma_start3A_1124 = arith.constant 0 : i32
        %dma_start3A_1125 = arith.constant 896 : i32
        %dma_start3A_1126 = tpu.memref_slice %arg7[%dma_start3A_1124, %dma_start3A_1125] : memref<16x4096xf32, #tpu.memory_space<vmem>> -> memref<16x128xf32, #tpu.memory_space<vmem>>
        %dma_start3A_1127 = arith.constant 0 : i32
        %dma_start3A_1128 = tpu.memref_slice %arg3[%dma_start3A_1127, %multiple_of3A_1118] : memref<16x1000000xf32, #tpu.memory_space<hbm>> -> memref<16x128xf32, #tpu.memory_space<hbm>>
        tpu.enqueue_dma source(%dma_start3A_1128 : memref<16x128xf32, #tpu.memory_space<hbm>>) target(%dma_start3A_1126 : memref<16x128xf32, #tpu.memory_space<vmem>>) target_semaphore(%arg9 : memref<!tpu.dma_semaphore, #tpu.memory_space<semaphore_mem>>)
        %multiple_of3A_1129 = tpu.assume_multiple %squeeze3A_1026, 128 : i32
        %dma_start3A_1130 = arith.constant 0 : i32
        %dma_start3A_1131 = arith.constant 1024 : i32
        %dma_start3A_1132 = tpu.memref_slice %arg7[%dma_start3A_1130, %dma_start3A_1131] : memref<16x4096xf32, #tpu.memory_space<vmem>> -> memref<16x128xf32, #tpu.memory_space<vmem>>
        %dma_start3A_1133 = arith.constant 0 : i32
        %dma_start3A_1134 = tpu.memref_slice %arg3[%dma_start3A_1133, %multiple_of3A_1129] : memref<16x1000000xf32, #tpu.memory_space<hbm>> -> memref<16x128xf32, #tpu.memory_space<hbm>>
        %dma_start3A_1135 = arith.constant 0 : i32
        %dma_start3A_1136 = arith.constant 1024 : i32
        %dma_start3A_1137 = tpu.memref_slice %arg7[%dma_start3A_1135, %dma_start3A_1136] : memref<16x4096xf32, #tpu.memory_space<vmem>> -> memref<16x128xf32, #tpu.memory_space<vmem>>
        %dma_start3A_1138 = arith.constant 0 : i32
        %dma_start3A_1139 = tpu.memref_slice %arg3[%dma_start3A_1138, %multiple_of3A_1129] : memref<16x1000000xf32, #tpu.memory_space<hbm>> -> memref<16x128xf32, #tpu.memory_space<hbm>>
        tpu.enqueue_dma source(%dma_start3A_1139 : memref<16x128xf32, #tpu.memory_space<hbm>>) target(%dma_start3A_1137 : memref<16x128xf32, #tpu.memory_space<vmem>>) target_semaphore(%arg9 : memref<!tpu.dma_semaphore, #tpu.memory_space<semaphore_mem>>)
        %multiple_of3A_1140 = tpu.assume_multiple %squeeze3A_1028, 128 : i32
        %dma_start3A_1141 = arith.constant 0 : i32
        %dma_start3A_1142 = arith.constant 1152 : i32
        %dma_start3A_1143 = tpu.memref_slice %arg7[%dma_start3A_1141, %dma_start3A_1142] : memref<16x4096xf32, #tpu.memory_space<vmem>> -> memref<16x128xf32, #tpu.memory_space<vmem>>
        %dma_start3A_1144 = arith.constant 0 : i32
        %dma_start3A_1145 = tpu.memref_slice %arg3[%dma_start3A_1144, %multiple_of3A_1140] : memref<16x1000000xf32, #tpu.memory_space<hbm>> -> memref<16x128xf32, #tpu.memory_space<hbm>>
        %dma_start3A_1146 = arith.constant 0 : i32
        %dma_start3A_1147 = arith.constant 1152 : i32
        %dma_start3A_1148 = tpu.memref_slice %arg7[%dma_start3A_1146, %dma_start3A_1147] : memref<16x4096xf32, #tpu.memory_space<vmem>> -> memref<16x128xf32, #tpu.memory_space<vmem>>
        %dma_start3A_1149 = arith.constant 0 : i32
        %dma_start3A_1150 = tpu.memref_slice %arg3[%dma_start3A_1149, %multiple_of3A_1140] : memref<16x1000000xf32, #tpu.memory_space<hbm>> -> memref<16x128xf32, #tpu.memory_space<hbm>>
        tpu.enqueue_dma source(%dma_start3A_1150 : memref<16x128xf32, #tpu.memory_space<hbm>>) target(%dma_start3A_1148 : memref<16x128xf32, #tpu.memory_space<vmem>>) target_semaphore(%arg9 : memref<!tpu.dma_semaphore, #tpu.memory_space<semaphore_mem>>)
        %multiple_of3A_1151 = tpu.assume_multiple %squeeze3A_1030, 128 : i32
        %dma_start3A_1152 = arith.constant 0 : i32
        %dma_start3A_1153 = arith.constant 1280 : i32
        %dma_start3A_1154 = tpu.memref_slice %arg7[%dma_start3A_1152, %dma_start3A_1153] : memref<16x4096xf32, #tpu.memory_space<vmem>> -> memref<16x128xf32, #tpu.memory_space<vmem>>
        %dma_start3A_1155 = arith.constant 0 : i32
        %dma_start3A_1156 = tpu.memref_slice %arg3[%dma_start3A_1155, %multiple_of3A_1151] : memref<16x1000000xf32, #tpu.memory_space<hbm>> -> memref<16x128xf32, #tpu.memory_space<hbm>>
        %dma_start3A_1157 = arith.constant 0 : i32
        %dma_start3A_1158 = arith.constant 1280 : i32
        %dma_start3A_1159 = tpu.memref_slice %arg7[%dma_start3A_1157, %dma_start3A_1158] : memref<16x4096xf32, #tpu.memory_space<vmem>> -> memref<16x128xf32, #tpu.memory_space<vmem>>
        %dma_start3A_1160 = arith.constant 0 : i32
        %dma_start3A_1161 = tpu.memref_slice %arg3[%dma_start3A_1160, %multiple_of3A_1151] : memref<16x1000000xf32, #tpu.memory_space<hbm>> -> memref<16x128xf32, #tpu.memory_space<hbm>>
        tpu.enqueue_dma source(%dma_start3A_1161 : memref<16x128xf32, #tpu.memory_space<hbm>>) target(%dma_start3A_1159 : memref<16x128xf32, #tpu.memory_space<vmem>>) target_semaphore(%arg9 : memref<!tpu.dma_semaphore, #tpu.memory_space<semaphore_mem>>)
        %multiple_of3A_1162 = tpu.assume_multiple %squeeze3A_1032, 128 : i32
        %dma_start3A_1163 = arith.constant 0 : i32
        %dma_start3A_1164 = arith.constant 1408 : i32
        %dma_start3A_1165 = tpu.memref_slice %arg7[%dma_start3A_1163, %dma_start3A_1164] : memref<16x4096xf32, #tpu.memory_space<vmem>> -> memref<16x128xf32, #tpu.memory_space<vmem>>
        %dma_start3A_1166 = arith.constant 0 : i32
        %dma_start3A_1167 = tpu.memref_slice %arg3[%dma_start3A_1166, %multiple_of3A_1162] : memref<16x1000000xf32, #tpu.memory_space<hbm>> -> memref<16x128xf32, #tpu.memory_space<hbm>>
        %dma_start3A_1168 = arith.constant 0 : i32
        %dma_start3A_1169 = arith.constant 1408 : i32
        %dma_start3A_1170 = tpu.memref_slice %arg7[%dma_start3A_1168, %dma_start3A_1169] : memref<16x4096xf32, #tpu.memory_space<vmem>> -> memref<16x128xf32, #tpu.memory_space<vmem>>
        %dma_start3A_1171 = arith.constant 0 : i32
        %dma_start3A_1172 = tpu.memref_slice %arg3[%dma_start3A_1171, %multiple_of3A_1162] : memref<16x1000000xf32, #tpu.memory_space<hbm>> -> memref<16x128xf32, #tpu.memory_space<hbm>>
        tpu.enqueue_dma source(%dma_start3A_1172 : memref<16x128xf32, #tpu.memory_space<hbm>>) target(%dma_start3A_1170 : memref<16x128xf32, #tpu.memory_space<vmem>>) target_semaphore(%arg9 : memref<!tpu.dma_semaphore, #tpu.memory_space<semaphore_mem>>)
        %multiple_of3A_1173 = tpu.assume_multiple %squeeze3A_1034, 128 : i32
        %dma_start3A_1174 = arith.constant 0 : i32
        %dma_start3A_1175 = arith.constant 1536 : i32
        %dma_start3A_1176 = tpu.memref_slice %arg7[%dma_start3A_1174, %dma_start3A_1175] : memref<16x4096xf32, #tpu.memory_space<vmem>> -> memref<16x128xf32, #tpu.memory_space<vmem>>
        %dma_start3A_1177 = arith.constant 0 : i32
        %dma_start3A_1178 = tpu.memref_slice %arg3[%dma_start3A_1177, %multiple_of3A_1173] : memref<16x1000000xf32, #tpu.memory_space<hbm>> -> memref<16x128xf32, #tpu.memory_space<hbm>>
        %dma_start3A_1179 = arith.constant 0 : i32
        %dma_start3A_1180 = arith.constant 1536 : i32
        %dma_start3A_1181 = tpu.memref_slice %arg7[%dma_start3A_1179, %dma_start3A_1180] : memref<16x4096xf32, #tpu.memory_space<vmem>> -> memref<16x128xf32, #tpu.memory_space<vmem>>
        %dma_start3A_1182 = arith.constant 0 : i32
        %dma_start3A_1183 = tpu.memref_slice %arg3[%dma_start3A_1182, %multiple_of3A_1173] : memref<16x1000000xf32, #tpu.memory_space<hbm>> -> memref<16x128xf32, #tpu.memory_space<hbm>>
        tpu.enqueue_dma source(%dma_start3A_1183 : memref<16x128xf32, #tpu.memory_space<hbm>>) target(%dma_start3A_1181 : memref<16x128xf32, #tpu.memory_space<vmem>>) target_semaphore(%arg9 : memref<!tpu.dma_semaphore, #tpu.memory_space<semaphore_mem>>)
        %multiple_of3A_1184 = tpu.assume_multiple %squeeze3A_1036, 128 : i32
        %dma_start3A_1185 = arith.constant 0 : i32
        %dma_start3A_1186 = arith.constant 1664 : i32
        %dma_start3A_1187 = tpu.memref_slice %arg7[%dma_start3A_1185, %dma_start3A_1186] : memref<16x4096xf32, #tpu.memory_space<vmem>> -> memref<16x128xf32, #tpu.memory_space<vmem>>
        %dma_start3A_1188 = arith.constant 0 : i32
        %dma_start3A_1189 = tpu.memref_slice %arg3[%dma_start3A_1188, %multiple_of3A_1184] : memref<16x1000000xf32, #tpu.memory_space<hbm>> -> memref<16x128xf32, #tpu.memory_space<hbm>>
        %dma_start3A_1190 = arith.constant 0 : i32
        %dma_start3A_1191 = arith.constant 1664 : i32
        %dma_start3A_1192 = tpu.memref_slice %arg7[%dma_start3A_1190, %dma_start3A_1191] : memref<16x4096xf32, #tpu.memory_space<vmem>> -> memref<16x128xf32, #tpu.memory_space<vmem>>
        %dma_start3A_1193 = arith.constant 0 : i32
        %dma_start3A_1194 = tpu.memref_slice %arg3[%dma_start3A_1193, %multiple_of3A_1184] : memref<16x1000000xf32, #tpu.memory_space<hbm>> -> memref<16x128xf32, #tpu.memory_space<hbm>>
        tpu.enqueue_dma source(%dma_start3A_1194 : memref<16x128xf32, #tpu.memory_space<hbm>>) target(%dma_start3A_1192 : memref<16x128xf32, #tpu.memory_space<vmem>>) target_semaphore(%arg9 : memref<!tpu.dma_semaphore, #tpu.memory_space<semaphore_mem>>)
        %multiple_of3A_1195 = tpu.assume_multiple %squeeze3A_1038, 128 : i32
        %dma_start3A_1196 = arith.constant 0 : i32
        %dma_start3A_1197 = arith.constant 1792 : i32
        %dma_start3A_1198 = tpu.memref_slice %arg7[%dma_start3A_1196, %dma_start3A_1197] : memref<16x4096xf32, #tpu.memory_space<vmem>> -> memref<16x128xf32, #tpu.memory_space<vmem>>
        %dma_start3A_1199 = arith.constant 0 : i32
        %dma_start3A_1200 = tpu.memref_slice %arg3[%dma_start3A_1199, %multiple_of3A_1195] : memref<16x1000000xf32, #tpu.memory_space<hbm>> -> memref<16x128xf32, #tpu.memory_space<hbm>>
        %dma_start3A_1201 = arith.constant 0 : i32
        %dma_start3A_1202 = arith.constant 1792 : i32
        %dma_start3A_1203 = tpu.memref_slice %arg7[%dma_start3A_1201, %dma_start3A_1202] : memref<16x4096xf32, #tpu.memory_space<vmem>> -> memref<16x128xf32, #tpu.memory_space<vmem>>
        %dma_start3A_1204 = arith.constant 0 : i32
        %dma_start3A_1205 = tpu.memref_slice %arg3[%dma_start3A_1204, %multiple_of3A_1195] : memref<16x1000000xf32, #tpu.memory_space<hbm>> -> memref<16x128xf32, #tpu.memory_space<hbm>>
        tpu.enqueue_dma source(%dma_start3A_1205 : memref<16x128xf32, #tpu.memory_space<hbm>>) target(%dma_start3A_1203 : memref<16x128xf32, #tpu.memory_space<vmem>>) target_semaphore(%arg9 : memref<!tpu.dma_semaphore, #tpu.memory_space<semaphore_mem>>)
        %multiple_of3A_1206 = tpu.assume_multiple %squeeze3A_1040, 128 : i32
        %dma_start3A_1207 = arith.constant 0 : i32
        %dma_start3A_1208 = arith.constant 1920 : i32
        %dma_start3A_1209 = tpu.memref_slice %arg7[%dma_start3A_1207, %dma_start3A_1208] : memref<16x4096xf32, #tpu.memory_space<vmem>> -> memref<16x128xf32, #tpu.memory_space<vmem>>
        %dma_start3A_1210 = arith.constant 0 : i32
        %dma_start3A_1211 = tpu.memref_slice %arg3[%dma_start3A_1210, %multiple_of3A_1206] : memref<16x1000000xf32, #tpu.memory_space<hbm>> -> memref<16x128xf32, #tpu.memory_space<hbm>>
        %dma_start3A_1212 = arith.constant 0 : i32
        %dma_start3A_1213 = arith.constant 1920 : i32
        %dma_start3A_1214 = tpu.memref_slice %arg7[%dma_start3A_1212, %dma_start3A_1213] : memref<16x4096xf32, #tpu.memory_space<vmem>> -> memref<16x128xf32, #tpu.memory_space<vmem>>
        %dma_start3A_1215 = arith.constant 0 : i32
        %dma_start3A_1216 = tpu.memref_slice %arg3[%dma_start3A_1215, %multiple_of3A_1206] : memref<16x1000000xf32, #tpu.memory_space<hbm>> -> memref<16x128xf32, #tpu.memory_space<hbm>>
        tpu.enqueue_dma source(%dma_start3A_1216 : memref<16x128xf32, #tpu.memory_space<hbm>>) target(%dma_start3A_1214 : memref<16x128xf32, #tpu.memory_space<vmem>>) target_semaphore(%arg9 : memref<!tpu.dma_semaphore, #tpu.memory_space<semaphore_mem>>)
      } else {
      }
      %add3A_874 = arith.constant 1 : i32
      %add3A_875 = arith.addi %mul3A_534, %add3A_874 : i32
      %dma_wait3A_876 = arith.constant 0 : i32
      %dma_wait3A_877 = arith.constant 2048 : i32
      %dma_wait3A_878 = tpu.memref_slice %arg7[%dma_wait3A_876, %dma_wait3A_877] : memref<16x4096xf32, #tpu.memory_space<vmem>> -> memref<16x2048xf32, #tpu.memory_space<vmem>>
      %dma_wait3A_879 = arith.constant 0 : i32
      %dma_wait3A_880 = arith.constant 0 : i32
      %dma_wait3A_881 = tpu.memref_slice %arg3[%dma_wait3A_879, %dma_wait3A_880] : memref<16x1000000xf32, #tpu.memory_space<hbm>> -> memref<16x2048xf32, #tpu.memory_space<hbm>>
      %dma_wait3A_882 = arith.constant 0 : i32
      %dma_wait3A_883 = arith.constant 2048 : i32
      %dma_wait3A_884 = tpu.memref_slice %arg7[%dma_wait3A_882, %dma_wait3A_883] : memref<16x4096xf32, #tpu.memory_space<vmem>> -> memref<16x2048xf32, #tpu.memory_space<vmem>>
      %dma_wait3A_885 = arith.constant 0 : i32
      %dma_wait3A_886 = arith.constant 0 : i32
      %dma_wait3A_887 = tpu.memref_slice %arg3[%dma_wait3A_885, %dma_wait3A_886] : memref<16x1000000xf32, #tpu.memory_space<hbm>> -> memref<16x2048xf32, #tpu.memory_space<hbm>>
      tpu.wait_dma2 semaphore(%arg10 : memref<!tpu.dma_semaphore, #tpu.memory_space<semaphore_mem>>) src(%dma_wait3A_887 : memref<16x2048xf32, #tpu.memory_space<hbm>>) dst(%dma_wait3A_884 : memref<16x2048xf32, #tpu.memory_space<vmem>>)
      %mul3A_888 = arith.constant 16 : i32
      %mul3A_889 = arith.muli %add3A_875, %mul3A_888 : i32
      %get3A_890 = arith.index_cast %mul3A_889 : i32 to index
      %get3A_891 = tpu.vector_load %arg5[%get3A_890] {strides = array<i32>} : memref<512xi32, #tpu.memory_space<vmem>>, vector<16xi32>,
      %mul3A_892 = arith.constant 128 : i32
      %mul3A_893 = vector.broadcast %mul3A_892 : i32 to vector<16xi32>
      %mul3A_894 = arith.muli %iota3A, %mul3A_893 : vector<16xi32>
      %add3A_895 = arith.constant 2048 : i32
      %add3A_896 = vector.broadcast %add3A_895 : i32 to vector<16xi32>
      %add3A_897 = arith.addi %add3A_896, %mul3A_894 : vector<16xi32>
      %and3A_898 = arith.constant 127 : i32
      %and3A_899 = vector.broadcast %and3A_898 : i32 to vector<16xi32>
      %and3A_900 = arith.andi %get3A_891, %and3A_899 : vector<16xi32>
      %add3A_901 = arith.addi %add3A_897, %and3A_900 : vector<16xi32>
      %add3A_902 = vector.broadcast %mul3A_889 : i32 to vector<16xi32>
      %add3A_903 = arith.addi %add3A_902, %iota3A : vector<16xi32>
      %mul3A_904 = arith.constant 16 : i32
      %mul3A_905 = vector.broadcast %mul3A_904 : i32 to vector<16xi32>
      %mul3A_906 = arith.muli %add3A_903, %mul3A_905 : vector<16xi32>
      %broadcast_in_dim3A_907 = arith.constant 0 : i32
      %broadcast_in_dim3A_908 = vector.broadcast %broadcast_in_dim3A_907 : i32 to vector<16xi32>
      %gather3A_909 = tpu.vector_load_idx %arg7[%broadcast_in_dim3A_908, %add3A_901] : memref<16x4096xf32, #tpu.memory_space<vmem>>[vector<16xi32>, vector<16xi32>], vector<16xf32>,
      %add3A_910 = arith.constant 0 : i32
      %add3A_911 = vector.broadcast %add3A_910 : i32 to vector<16xi32>
      %add3A_912 = arith.addi %mul3A_906, %add3A_911 : vector<16xi32>
      tpu.vector_store_idx %arg8[%add3A_912], %gather3A_909 : memref<8192xf32, #tpu.memory_space<vmem>>[vector<16xi32>], vector<16xf32>,
      %broadcast_in_dim3A_913 = arith.constant 1 : i32
      %broadcast_in_dim3A_914 = vector.broadcast %broadcast_in_dim3A_913 : i32 to vector<16xi32>
      %gather3A_915 = tpu.vector_load_idx %arg7[%broadcast_in_dim3A_914, %add3A_901] : memref<16x4096xf32, #tpu.memory_space<vmem>>[vector<16xi32>, vector<16xi32>], vector<16xf32>,
      %add3A_916 = arith.constant 1 : i32
      %add3A_917 = vector.broadcast %add3A_916 : i32 to vector<16xi32>
      %add3A_918 = arith.addi %mul3A_906, %add3A_917 : vector<16xi32>
      tpu.vector_store_idx %arg8[%add3A_918], %gather3A_915 : memref<8192xf32, #tpu.memory_space<vmem>>[vector<16xi32>], vector<16xf32>,
      %broadcast_in_dim3A_919 = arith.constant 2 : i32
      %broadcast_in_dim3A_920 = vector.broadcast %broadcast_in_dim3A_919 : i32 to vector<16xi32>
      %gather3A_921 = tpu.vector_load_idx %arg7[%broadcast_in_dim3A_920, %add3A_901] : memref<16x4096xf32, #tpu.memory_space<vmem>>[vector<16xi32>, vector<16xi32>], vector<16xf32>,
      %add3A_922 = arith.constant 2 : i32
      %add3A_923 = vector.broadcast %add3A_922 : i32 to vector<16xi32>
      %add3A_924 = arith.addi %mul3A_906, %add3A_923 : vector<16xi32>
      tpu.vector_store_idx %arg8[%add3A_924], %gather3A_921 : memref<8192xf32, #tpu.memory_space<vmem>>[vector<16xi32>], vector<16xf32>,
      %broadcast_in_dim3A_925 = arith.constant 3 : i32
      %broadcast_in_dim3A_926 = vector.broadcast %broadcast_in_dim3A_925 : i32 to vector<16xi32>
      %gather3A_927 = tpu.vector_load_idx %arg7[%broadcast_in_dim3A_926, %add3A_901] : memref<16x4096xf32, #tpu.memory_space<vmem>>[vector<16xi32>, vector<16xi32>], vector<16xf32>,
      %add3A_928 = arith.constant 3 : i32
      %add3A_929 = vector.broadcast %add3A_928 : i32 to vector<16xi32>
      %add3A_930 = arith.addi %mul3A_906, %add3A_929 : vector<16xi32>
      tpu.vector_store_idx %arg8[%add3A_930], %gather3A_927 : memref<8192xf32, #tpu.memory_space<vmem>>[vector<16xi32>], vector<16xf32>,
      %broadcast_in_dim3A_931 = arith.constant 4 : i32
      %broadcast_in_dim3A_932 = vector.broadcast %broadcast_in_dim3A_931 : i32 to vector<16xi32>
      %gather3A_933 = tpu.vector_load_idx %arg7[%broadcast_in_dim3A_932, %add3A_901] : memref<16x4096xf32, #tpu.memory_space<vmem>>[vector<16xi32>, vector<16xi32>], vector<16xf32>,
      %add3A_934 = arith.constant 4 : i32
      %add3A_935 = vector.broadcast %add3A_934 : i32 to vector<16xi32>
      %add3A_936 = arith.addi %mul3A_906, %add3A_935 : vector<16xi32>
      tpu.vector_store_idx %arg8[%add3A_936], %gather3A_933 : memref<8192xf32, #tpu.memory_space<vmem>>[vector<16xi32>], vector<16xf32>,
      %broadcast_in_dim3A_937 = arith.constant 5 : i32
      %broadcast_in_dim3A_938 = vector.broadcast %broadcast_in_dim3A_937 : i32 to vector<16xi32>
      %gather3A_939 = tpu.vector_load_idx %arg7[%broadcast_in_dim3A_938, %add3A_901] : memref<16x4096xf32, #tpu.memory_space<vmem>>[vector<16xi32>, vector<16xi32>], vector<16xf32>,
      %add3A_940 = arith.constant 5 : i32
      %add3A_941 = vector.broadcast %add3A_940 : i32 to vector<16xi32>
      %add3A_942 = arith.addi %mul3A_906, %add3A_941 : vector<16xi32>
      tpu.vector_store_idx %arg8[%add3A_942], %gather3A_939 : memref<8192xf32, #tpu.memory_space<vmem>>[vector<16xi32>], vector<16xf32>,
      %broadcast_in_dim3A_943 = arith.constant 6 : i32
      %broadcast_in_dim3A_944 = vector.broadcast %broadcast_in_dim3A_943 : i32 to vector<16xi32>
      %gather3A_945 = tpu.vector_load_idx %arg7[%broadcast_in_dim3A_944, %add3A_901] : memref<16x4096xf32, #tpu.memory_space<vmem>>[vector<16xi32>, vector<16xi32>], vector<16xf32>,
      %add3A_946 = arith.constant 6 : i32
      %add3A_947 = vector.broadcast %add3A_946 : i32 to vector<16xi32>
      %add3A_948 = arith.addi %mul3A_906, %add3A_947 : vector<16xi32>
      tpu.vector_store_idx %arg8[%add3A_948], %gather3A_945 : memref<8192xf32, #tpu.memory_space<vmem>>[vector<16xi32>], vector<16xf32>,
      %broadcast_in_dim3A_949 = arith.constant 7 : i32
      %broadcast_in_dim3A_950 = vector.broadcast %broadcast_in_dim3A_949 : i32 to vector<16xi32>
      %gather3A_951 = tpu.vector_load_idx %arg7[%broadcast_in_dim3A_950, %add3A_901] : memref<16x4096xf32, #tpu.memory_space<vmem>>[vector<16xi32>, vector<16xi32>], vector<16xf32>,
      %add3A_952 = arith.constant 7 : i32
      %add3A_953 = vector.broadcast %add3A_952 : i32 to vector<16xi32>
      %add3A_954 = arith.addi %mul3A_906, %add3A_953 : vector<16xi32>
      tpu.vector_store_idx %arg8[%add3A_954], %gather3A_951 : memref<8192xf32, #tpu.memory_space<vmem>>[vector<16xi32>], vector<16xf32>,
      %broadcast_in_dim3A_955 = arith.constant 8 : i32
      %broadcast_in_dim3A_956 = vector.broadcast %broadcast_in_dim3A_955 : i32 to vector<16xi32>
      %gather3A_957 = tpu.vector_load_idx %arg7[%broadcast_in_dim3A_956, %add3A_901] : memref<16x4096xf32, #tpu.memory_space<vmem>>[vector<16xi32>, vector<16xi32>], vector<16xf32>,
      %add3A_958 = arith.constant 8 : i32
      %add3A_959 = vector.broadcast %add3A_958 : i32 to vector<16xi32>
      %add3A_960 = arith.addi %mul3A_906, %add3A_959 : vector<16xi32>
      tpu.vector_store_idx %arg8[%add3A_960], %gather3A_957 : memref<8192xf32, #tpu.memory_space<vmem>>[vector<16xi32>], vector<16xf32>,
      %broadcast_in_dim3A_961 = arith.constant 9 : i32
      %broadcast_in_dim3A_962 = vector.broadcast %broadcast_in_dim3A_961 : i32 to vector<16xi32>
      %gather3A_963 = tpu.vector_load_idx %arg7[%broadcast_in_dim3A_962, %add3A_901] : memref<16x4096xf32, #tpu.memory_space<vmem>>[vector<16xi32>, vector<16xi32>], vector<16xf32>,
      %add3A_964 = arith.constant 9 : i32
      %add3A_965 = vector.broadcast %add3A_964 : i32 to vector<16xi32>
      %add3A_966 = arith.addi %mul3A_906, %add3A_965 : vector<16xi32>
      tpu.vector_store_idx %arg8[%add3A_966], %gather3A_963 : memref<8192xf32, #tpu.memory_space<vmem>>[vector<16xi32>], vector<16xf32>,
      %broadcast_in_dim3A_967 = arith.constant 10 : i32
      %broadcast_in_dim3A_968 = vector.broadcast %broadcast_in_dim3A_967 : i32 to vector<16xi32>
      %gather3A_969 = tpu.vector_load_idx %arg7[%broadcast_in_dim3A_968, %add3A_901] : memref<16x4096xf32, #tpu.memory_space<vmem>>[vector<16xi32>, vector<16xi32>], vector<16xf32>,
      %add3A_970 = arith.constant 10 : i32
      %add3A_971 = vector.broadcast %add3A_970 : i32 to vector<16xi32>
      %add3A_972 = arith.addi %mul3A_906, %add3A_971 : vector<16xi32>
      tpu.vector_store_idx %arg8[%add3A_972], %gather3A_969 : memref<8192xf32, #tpu.memory_space<vmem>>[vector<16xi32>], vector<16xf32>,
      %broadcast_in_dim3A_973 = arith.constant 11 : i32
      %broadcast_in_dim3A_974 = vector.broadcast %broadcast_in_dim3A_973 : i32 to vector<16xi32>
      %gather3A_975 = tpu.vector_load_idx %arg7[%broadcast_in_dim3A_974, %add3A_901] : memref<16x4096xf32, #tpu.memory_space<vmem>>[vector<16xi32>, vector<16xi32>], vector<16xf32>,
      %add3A_976 = arith.constant 11 : i32
      %add3A_977 = vector.broadcast %add3A_976 : i32 to vector<16xi32>
      %add3A_978 = arith.addi %mul3A_906, %add3A_977 : vector<16xi32>
      tpu.vector_store_idx %arg8[%add3A_978], %gather3A_975 : memref<8192xf32, #tpu.memory_space<vmem>>[vector<16xi32>], vector<16xf32>,
      %broadcast_in_dim3A_979 = arith.constant 12 : i32
      %broadcast_in_dim3A_980 = vector.broadcast %broadcast_in_dim3A_979 : i32 to vector<16xi32>
      %gather3A_981 = tpu.vector_load_idx %arg7[%broadcast_in_dim3A_980, %add3A_901] : memref<16x4096xf32, #tpu.memory_space<vmem>>[vector<16xi32>, vector<16xi32>], vector<16xf32>,
      %add3A_982 = arith.constant 12 : i32
      %add3A_983 = vector.broadcast %add3A_982 : i32 to vector<16xi32>
      %add3A_984 = arith.addi %mul3A_906, %add3A_983 : vector<16xi32>
      tpu.vector_store_idx %arg8[%add3A_984], %gather3A_981 : memref<8192xf32, #tpu.memory_space<vmem>>[vector<16xi32>], vector<16xf32>,
      %broadcast_in_dim3A_985 = arith.constant 13 : i32
      %broadcast_in_dim3A_986 = vector.broadcast %broadcast_in_dim3A_985 : i32 to vector<16xi32>
      %gather3A_987 = tpu.vector_load_idx %arg7[%broadcast_in_dim3A_986, %add3A_901] : memref<16x4096xf32, #tpu.memory_space<vmem>>[vector<16xi32>, vector<16xi32>], vector<16xf32>,
      %add3A_988 = arith.constant 13 : i32
      %add3A_989 = vector.broadcast %add3A_988 : i32 to vector<16xi32>
      %add3A_990 = arith.addi %mul3A_906, %add3A_989 : vector<16xi32>
      tpu.vector_store_idx %arg8[%add3A_990], %gather3A_987 : memref<8192xf32, #tpu.memory_space<vmem>>[vector<16xi32>], vector<16xf32>,
      %broadcast_in_dim3A_991 = arith.constant 14 : i32
      %broadcast_in_dim3A_992 = vector.broadcast %broadcast_in_dim3A_991 : i32 to vector<16xi32>
      %gather3A_993 = tpu.vector_load_idx %arg7[%broadcast_in_dim3A_992, %add3A_901] : memref<16x4096xf32, #tpu.memory_space<vmem>>[vector<16xi32>, vector<16xi32>], vector<16xf32>,
      %add3A_994 = arith.constant 14 : i32
      %add3A_995 = vector.broadcast %add3A_994 : i32 to vector<16xi32>
      %add3A_996 = arith.addi %mul3A_906, %add3A_995 : vector<16xi32>
      tpu.vector_store_idx %arg8[%add3A_996], %gather3A_993 : memref<8192xf32, #tpu.memory_space<vmem>>[vector<16xi32>], vector<16xf32>,
      %broadcast_in_dim3A_997 = arith.constant 15 : i32
      %broadcast_in_dim3A_998 = vector.broadcast %broadcast_in_dim3A_997 : i32 to vector<16xi32>
      %gather3A_999 = tpu.vector_load_idx %arg7[%broadcast_in_dim3A_998, %add3A_901] : memref<16x4096xf32, #tpu.memory_space<vmem>>[vector<16xi32>, vector<16xi32>], vector<16xf32>,
      %add3A_1000 = arith.constant 15 : i32
      %add3A_1001 = vector.broadcast %add3A_1000 : i32 to vector<16xi32>
      %add3A_1002 = arith.addi %mul3A_906, %add3A_1001 : vector<16xi32>
      tpu.vector_store_idx %arg8[%add3A_1002], %gather3A_999 : memref<8192xf32, #tpu.memory_space<vmem>>[vector<16xi32>], vector<16xf32>,
    }
    %scan3A_529 = arith.constant 16 : i32
    %mul3A_530 = arith.constant 16 : i32
    %mul3A_531 = arith.muli %mul3A_2, %mul3A_530 : i32
    "tpu.region"() ({
      %run_scoped3A = tpu.sem_alloc : memref<!tpu.dma_semaphore, #tpu.memory_space<semaphore_mem>>
      %dma_start3A_532 = tpu.memref_slice %arg4[%mul3A_531] : memref<262144xf32, #tpu.memory_space<hbm>> -> memref<8192xf32, #tpu.memory_space<hbm>>
      %dma_start3A_533 = tpu.memref_slice %arg4[%mul3A_531] : memref<262144xf32, #tpu.memory_space<hbm>> -> memref<8192xf32, #tpu.memory_space<hbm>>
      tpu.enqueue_dma source(%arg8 : memref<8192xf32, #tpu.memory_space<vmem>>) target(%dma_start3A_533 : memref<8192xf32, #tpu.memory_space<hbm>>) target_semaphore(%run_scoped3A : memref<!tpu.dma_semaphore, #tpu.memory_space<semaphore_mem>>)
      %dma_wait3A = tpu.memref_slice %arg4[%mul3A_531] : memref<262144xf32, #tpu.memory_space<hbm>> -> memref<8192xf32, #tpu.memory_space<hbm>>
      %dma_wait3A_534 = tpu.memref_slice %arg4[%mul3A_531] : memref<262144xf32, #tpu.memory_space<hbm>> -> memref<8192xf32, #tpu.memory_space<hbm>>
      tpu.wait_dma2 semaphore(%run_scoped3A : memref<!tpu.dma_semaphore, #tpu.memory_space<semaphore_mem>>) src(%arg8 : memref<8192xf32, #tpu.memory_space<vmem>>) dst(%dma_wait3A_534 : memref<8192xf32, #tpu.memory_space<hbm>>)
      tpu.yield
    }) : () -> ()
    return
  }
}

</mosaic_0001>

<sc_bundles>
// kernel: kernel.3.cloned.1.call-start
scs
__scs_entry_jumppad:
0x0: {  	(pc) =	sbr.rel $0x88, $3  }
0x1: {  	(tag) =	ssettag $0x0;
	lr =	simm.s32 $0x1  }
0x2: {  	[smem:$0x3F9F] =	sst lr;
	_ =	strace $0xD0000000  }
0x3: {  	_ = 	snop  }
0x4: {  	_ = 	snop  }
0x5: {  	_ = 	snop  }
0x6: {  	_ = 	snop  }
0x7: {  	_ = 	snop  }
__scs_overlays_trampoline_lowered:
0x8: {  	[smem:$0x3FAE] =	sst s0  }
0x9: {  	[smem:$0x3FAF] =	sst s1  }
0xa: {  	[smem:$0x3FB0] =	sst s2  }
0xb: {  	[smem:$0x3FB1] =	sst s3  }
0xc: {  	[smem:$0x3FB2] =	sst s4  }
0xd: {  	[smem:$0x3FB3] =	sst s5  }
0xe: {  	[smem:$0x3FB4] =	sst s6  }
0xf: {  	[smem:$0x3FB5] =	sst s7  }
0x10: {  	[smem:$0x3FB6] =	sst s8  }
0x11: {  	[smem:$0x3FB7] =	sst s9;
	s0 =	simm.s32 @!p0 $0x0  }
0x12: {  	s1 =	sld [smem:$0x3F9D];
	s0 =	simm.s32 @p0 $0x1  }
0x13: {  	[smem:$0x3FB8] =	sst s0;
	s0 =	simm.s32 @!p1 $0x0  }
0x14: {  	s2 =	sld [smem:$0x3F9C];
	s0 =	simm.s32 @p1 $0x1  }
0x15: {  	[smem:$0x3FB9] =	sst s0;
	s0 =	simm.s32 @!p2 $0x0  }
0x16: {  	s3 =	sld [smem:$0x3FDB];
	s0 =	simm.s32 @p2 $0x1  }
0x17: {  	s4 =	simm.s32 $0x1BF5;
	[smem:$0x3FBB] =	sst s0  }
0x18: {  	s0 =	sld [smem:$0x3F9E];
	_ =	swait.ge [sflag:s4], $0x0  }
0x19: {  	s7 =	sld [smem:$0x3F9F]  }
0x1a: {  	s8 =	sadd.s32 $0xFFFFE003, lr  }
0x1b: {  	s9 =	sadd.s32 $0xFFFFFEF7, lr;
	s5 =	simm.s32 $0xFFFFFFFF;
	p2 =	slt.u32 s8, $0xFFFFF086  }
0x1c: {  	p1 =	slt.u32 s9, $0xF7A;
	s5 =	simm.s32 @!p2 $0x0  }
0x1d: {  	s5 =	simm.s32 @p1 $0x1;
	p0 =	seq.s32 s7, s2  }
0x1e: {  	s7 =	smul.u32 @!p0 $0xF7A, s2;
	p2 =	seq.s32 @!p0 s5, $0x0  }
0x1f: {  	s9 =	smul.u32 $0xF7A, s1;
	s8 =	simm.s32 @!p0 $0x1BF5;
	p2 =	por !p2, p0  }
0x20: {  	[sflag:s8] =	ssyncset.s32 @!p0 $0xFFFFF086;
	s6 =	sadd.s32 @!p0 s3, s7;
	s7 =	simm.s32 @!p0 $0x108  }
0x21: {  	s3 =	sadd.s32 s3, s9;
	s6 =	sadd.s32 @!p0 $0x88, s6;
	s7 =	simm.s32 @p2 $0x1082  }
0x22: {  	[simem:s7], [sflag:s8] =	dma.local @!p0 [hbm:s6], $0xF7A  }
0x23: {  	s9 =	sor.u32 $0xD0000000, s2;
	s6 =	simm.s32 $0x108;
	_ =	swait.ge @!p0 [sflag:s8], $0x0  }
0x24: {  	s3 =	sadd.s32 $0x88, s3;
	s6 =	simm.s32 @!p1 $0x1082;
	[sflag:s4] =	ssyncset.s32 $0xFFFFF086  }
0x25: {  	[simem:s6], [sflag:s4] =	dma.local [hbm:s3], $0xF7A  }
0x26: {  	[smem:$0x3F9F] =	sst s1;
	(tag) =	ssettag s2;
	_ =	strace s9  }
0x27: {  	s1 =	sld [smem:$0x3FAF]  }
0x28: {  	s2 =	sld [smem:$0x3FB0]  }
0x29: {  	s4 =	sld [smem:$0x3FB2]  }
0x2a: {  	p0 =	seq.s32 s5, $0x0;
	s5 =	sld [smem:$0x3FB3]  }
0x2b: {  	s6 =	sld [smem:$0x3FB4]  }
0x2c: {  	s7 =	sld [smem:$0x3FB5]  }
0x2d: {  	s3 =	simm.s32 $0x108;
	s8 =	sld [smem:$0x3FB6]  }
0x2e: {  	s3 =	simm.s32 @!p0 $0x1082;
	s9 =	sld [smem:$0x3FB7]  }
0x2f: {  	lr =	sadd.s32 s0, s3;
	s0 =	sld [smem:$0x3FAE]  }
0x30: {  	s3 =	sld [smem:$0x3FB1]  }
0x31: {  	[smem:$0x3FBA] =	sst s10  }
0x32: {  	s10 =	sld [smem:$0x3FB8];
	_ =	sdelay $0x3  }
0x33: {  	p0 =	seq.s32 s10, $0x1;
	s10 =	sld [smem:$0x3FBA];
	_ =	sdelay $0x3  }
0x34: {  	[smem:$0x3FBA] =	sst s10  }
0x35: {  	s10 =	sld [smem:$0x3FB9];
	_ =	sdelay $0x3  }
0x36: {  	p1 =	seq.s32 s10, $0x1;
	s10 =	sld [smem:$0x3FBA];
	_ =	sdelay $0x3  }
0x37: {  	[smem:$0x3FBA] =	sst s10  }
0x38: {  	s10 =	sld [smem:$0x3FBB]  }
0x39: {  	_ = 	snop;
	(pc) =	sbr.ind lr, $3  }
0x3a: {  	_ = 	snop  }
0x3b: {  	_ = 	snop  }
0x3c: {  	p2 =	seq.s32 s10, $0x1;
	s10 =	sld [smem:$0x3FBA]  }
0x3d: {  	_ =	shalt  }
0x3e: {  	_ =	shalt  }
0x3f: {  	_ =	shalt  }
0x40: {  	_ =	shalt  }
0x41: {  	_ =	shalt  }
0x42: {  	_ =	shalt  }
0x43: {  	_ =	shalt  }
0x44: {  	_ =	shalt  }
0x45: {  	_ =	shalt  }
0x46: {  	_ =	shalt  }
0x47: {  	_ =	shalt  }
0x48: {  	_ =	shalt  }
0x49: {  	_ =	shalt  }
0x4a: {  	_ =	shalt  }
0x4b: {  	_ =	shalt  }
0x4c: {  	_ =	shalt  }
0x4d: {  	_ =	shalt  }
0x4e: {  	_ =	shalt  }
0x4f: {  	_ =	shalt  }
0x50: {  	_ =	shalt  }
0x51: {  	_ =	shalt  }
0x52: {  	_ =	shalt  }
0x53: {  	_ =	shalt  }
0x54: {  	_ =	shalt  }
0x55: {  	_ =	shalt  }
0x56: {  	_ =	shalt  }
0x57: {  	_ =	shalt  }
0x58: {  	_ =	shalt  }
0x59: {  	_ =	shalt  }
0x5a: {  	_ =	shalt  }
0x5b: {  	_ =	shalt  }
0x5c: {  	_ =	shalt  }
0x5d: {  	_ =	shalt  }
0x5e: {  	_ =	shalt  }
0x5f: {  	_ =	shalt  }
0x60: {  	_ =	shalt  }
0x61: {  	_ =	shalt  }
0x62: {  	_ =	shalt  }
0x63: {  	_ =	shalt  }
0x64: {  	_ =	shalt  }
0x65: {  	_ =	shalt  }
0x66: {  	_ =	shalt  }
0x67: {  	_ =	shalt  }
0x68: {  	_ =	shalt  }
0x69: {  	_ =	shalt  }
0x6a: {  	_ =	shalt  }
0x6b: {  	_ =	shalt  }
0x6c: {  	_ =	shalt  }
0x6d: {  	_ =	shalt  }
0x6e: {  	_ =	shalt  }
0x6f: {  	_ =	shalt  }
0x70: {  	_ =	shalt  }
0x71: {  	_ =	shalt  }
0x72: {  	_ =	shalt  }
0x73: {  	_ =	shalt  }
0x74: {  	_ =	shalt  }
0x75: {  	_ =	shalt  }
0x76: {  	_ =	shalt  }
0x77: {  	_ =	shalt  }
0x78: {  	_ =	shalt  }
0x79: {  	_ =	shalt  }
0x7a: {  	_ =	shalt  }
0x7b: {  	_ =	shalt  }
0x7c: {  	_ =	shalt  }
0x7d: {  	_ =	shalt  }
0x7e: {  	_ =	shalt  }
0x7f: {  	_ =	shalt  }
0x80: {  	_ =	shalt  }
0x81: {  	_ =	shalt  }
0x82: {  	_ =	shalt  }
0x83: {  	_ =	shalt  }
0x84: {  	_ =	shalt  }
0x85: {  	_ =	shalt  }
0x86: {  	_ =	shalt  }
0x87: {  	_ =	shalt  }
.Lfunc_end0:
.L_simem_size_0:
called_computation_lowered:
.L_overlay_start_0:
0x88: {  	s2 =	sld [smem:$0x3FD9]  }
0x89: {  	s3 =	sld [smem:$0x3FFE];
	_ =	sdelay $0x1  }
0x8a: {  	s1 =	srdreg.scid  }
0x8b: {  	s0 =	sand.u32 $0x1, s1  }
0x8c: {  	s18 =	sshll.u32 s0, $0xA;
	s2 =	sadd.s32 s3, s2  }
0x8d: {  	s2 =	sadd.s32 s2, s18  }
0x8e: {  	[smem:$0x3FC6] =	sst s2  }
0x8f: {  	_ = 	snop  }
0x90: {  	s2 =	sld [smem:$0x3FC9]  }
0x91: {  	s19 =	sld [smem:$0x3FC8]  }
0x92: {  	s4 =	sld [smem:$0x3FD0];
	(tm) =	ssettm $0x1  }
0x93: {  	s5 =	sld [smem:$0x3FFB];
	_ =	sdelay $0x3  }
0x94: {  	_ =	strace s5  }
0x95: {  	s5 =	sld [smem:$0x3FFC];
	_ =	sdelay $0x3  }
0x96: {  	_ =	strace s5  }
0x97: {  	s5 =	sld [smem:$0x3FFD];
	_ =	sdelay $0x3  }
0x98: {  	_ =	strace s5  }
0x99: {  	_ =	strace $0x8FFFFFFF  }
0x9a: {  	s20 =	sld [smem:$0x3FDB];
	_ =	sdelay $0x1  }
0x9b: {  	s6 =	simm.s32 $_scs_section_size  }
0x9c: {  	s7 =	simm.s32 $_size__tile_overlayer_lowered;
	s8 =	simm.s32 $_tile_overlayer_lowered  }
0x9d: {  	s23 =	simm.s32 $0x1BFF;
	s22 =	sshll.u32 s8, $0x1;
	s5 =	sadd.s32 s6, s20  }
0x9e: {  	s9 =	simm.s32 $0x0;
	s21 =	sshll.u32 s7, $0x1;
	s7 =	sadd.s32 s22, s5  }
0x9f: {  	[timem:s9], [sflag:s23] =	dma.local [hbm:s7], s21  }
0xa0: {  	_ =	swait.ge [sflag:s23], s21  }
0xa1: {  	s6 =	ssub.s32 $0x0, s21;
	[sflag:s23] =	ssyncset.done $0x0  }
0xa2: {  	[sflag:s23] =	ssyncadd.s32 s6;
	_ =	sdelay $0x1  }
0xa3: {  	s24 =	simm.s32 $0x1B8B  }
0xa4: {  	_ =	swait.ge [sflag:s24], $0x1  }
0xa5: {  	[sflag:s24] =	ssyncset.done $0x0  }
0xa6: {  	s25 =	simm.s32 $0x1B8E;
	[sflag:s24] =	ssyncadd.s32 $0xFFFFFFFF  }
0xa7: {  	s26 =	simm.s32 $execute0_lowered;
	[smem:$0x3FD2] =	sst s25  }
0xa8: {  	s6 =	sshll.u32 s26, $0x1;
	_ =	strace $0x80000046;
	[dreg:$0x1] =	wrdreg $0xFFFFFFFF  }
0xa9: {  	s28 =	simm.s32 $_size_execute0_lowered;
	s5 =	sadd.s32 s5, s6;
	[dreg:$0x0] =	wrdreg $0x0  }
0xaa: {  	s6 =	sshll.u32 s28, $0x1;
	[dreg:$0x2] =	wrdreg s5  }
0xab: {  	[dreg:$0x3] =	wrdreg s6  }
0xac: {  	[dreg:$0x4] =	wrdreg $0xC0  }
0xad: {  	_ =	task [dreg:s9], $0x5FFFF  }
0xae: {  	[dreg:$0x1] =	wrdreg $0xFFFFFFFF  }
0xaf: {  	[dreg:$0x0] =	wrdreg $0x60  }
0xb0: {  	[dreg:$0x2] =	wrdreg s2  }
0xb1: {  	[dreg:$0x3] =	wrdreg s19  }
0xb2: {  	[dreg:$0x4] =	wrdreg s4  }
0xb3: {  	[dreg:$0x5] =	wrdreg $0x9  }
0xb4: {  	_ =	task.clear_ibuf [dreg:s9], $0x6FFFF;
	_ =	strace $0x90000046  }
0xb5: {  	s29 =	simm.s32 $0x9;
	_ =	strace $0x80000048  }
0xb6: {  	_ =	swait.ge [sflag:s29], $0x1  }
0xb7: {  	[sflag:s29] =	ssyncadd.s32 $0xFFFFFFFF  }
0xb8: {  	_ =	strace $0x90000048  }
0xb9: {  	_ =	sfence  }
0xba: {  	s30 =	sld [smem:$0x0];
	_ =	sdelay $0x2  }
0xbb: {  	s31 =	sshll.u32 s1, $0xD;
	s1 =	sshrl.u32 s1, $0x2  }
0xbc: {  	s3 =	sand.u32 $0x4000, s31;
	s1 =	sadd.s32 s1, s30  }
0xbd: {  	s0 =	sor.u32 s3, s0;
	s1 =	sshll.u32 s1, $0x11  }
0xbe: {  	s0 =	sor.u32 s1, s0  }
0xbf: {  	s0 =	sadd.s32 $0x8F2B, s0  }
0xc0: {  	[sflag:s0] =	ssyncadd.remote.s32 $0x1  }
0xc1: {  	_ =	sfence.sel $0xFFFF  }
0xc2: {  	[dreg:$0x0] =	wrdreg $0xFFFFFFFF;
	(pc) =	sbr.abs _section_cstart, $3  }
0xc3: {  	[dreg:$0x1] =	wrdreg $0xFFFFFFFF  }
0xc4: {  	_ =	task.clear_ibuf [dreg:s9], $0x2FFFF;
	_ =	strace $0x9FFFFFFF  }
0xc5: {  	(tm) =	ssettm $0x7FFFFFFF  }
tec
execute0_lowered:
.L_overlay_start_1:
0x0: {  	(tag) =	ssettag $0x1  }
0x1: {  	s0 =	rddreg [dreg:$0x0]  }
0x2: {  	s1 =	rddreg [dreg:$0x1]  }
0x3: {  	s2 =	rddreg [dreg:$0x2];
	s4 =	srdreg.scid  }
0x4: {  	s3 =	simm.s32 $0x0;
	s6 =	stileid.u32;
	s20 =	simm.s32 $0x3  }
0x5: {  	s8 =	simm.s32 $0x400;
	v1 =	vlaneseq.u32;
	s23 =	simm.s32 $0x4400;
	s28 =	simm.s32 $0xE000  }
0x6: {  	s29 =	simm.s32 $0x6400;
	s30 =	simm.s32 $0xE400;
	s31 =	simm.s32 $0x6800;
	v0 =	vmul.u32 $0x400, v1  }
0x7: {  	s9 =	simm.s32 $0xF400;
	s10 =	simm.s32 $0x7800;
	s11 =	simm.s32 $0xF800  }
0x8: {  	s12 =	simm.s32 $0x7C00;
	s13 =	simm.s32 $0xFC00;
	s14 =	simm.s32 $0x8000;
	v1 =	vmul.u32 $0x10, v1;
	v2 =	vor.u32 $0x80, v0  }
0x9: {  	s15 =	simm.s32 $0x10000;
	s16 =	simm.s32 $0x1;
	s17 =	simm.s32 $0x10400;
	v3 =	vor.u32 $0x100, v0;
	v4 =	vor.u32 $0x180, v0;
	v5 =	vor.u32 $0x200, v0  }
0xa: {  	s18 =	simm.s32 $0x2;
	s21 =	simm.s32 $0x0;
	s4 =	sand.u32 $0x1, s4;
	v6 =	vor.u32 $0x280, v0;
	v7 =	vor.u32 $0x300, v0;
	v8 =	vor.u32 $0x380, v0  }
0xb: {  	[smem:$0x7FF] =	sst s3;
	s6 =	sshll.u32 s6, $0x1;
	s5 =	ssub.s32 $0x2, s4;
	v9 =	vor.u32 $0x8000, v0;
	v10 =	vor.u32 $0x8080, v0;
	v11 =	vor.u32 $0x8100, v0  }
0xc: {  	_ =	strace $0x80000047;
	s4 =	sor.u32 s4, s6;
	s7 =	sshrl.u32 s5, $0x1;
	v12 =	vor.u32 $0x8180, v0;
	v13 =	vor.u32 $0x8200, v0;
	v14 =	vor.u32 $0x8280, v0  }
0xd: {  	s6 =	sshll.u32 s4, $0x6;
	s4 =	sshll.u32 s4, $0xA;
	v15 =	vor.u32 $0x8300, v0;
	v16 =	vor.u32 $0x8380, v0;
	v17 =	vor.u32 $0x4000, v0;
	s5 =	ssub.s32 s5, s7  }
.Ltmp0:
0xe: {  	v18 =	vor.u32 $0x4080, v0;
	v19 =	vor.u32 $0x4100, v0;
	v20 =	vor.u32 $0x4180, v0;
	s0 =	sadd.s32 s0, s6;
	s25 =	sadd.s32 s2, s4;
	(pc) =	sbr.rel .LBB2_1-.Ltmp0, $4  }
0xf: {  	v21 =	vor.u32 $0x4200, v0;
	v22 =	vor.u32 $0x4280, v0;
	v23 =	vor.u32 $0x4300, v0;
	s2 =	simm.s32 $0x6C00;
	s4 =	simm.s32 $0xEC00;
	[dreg:$0x4] =	wrdreg s0  }
0x10: {  	v24 =	vor.u32 $0x4380, v0;
	v25 =	vor.u32 $0xC000, v0;
	v26 =	vor.u32 $0xC080, v0;
	s6 =	simm.s32 $0xF000;
	s7 =	simm.s32 $0x7400;
	[dreg:$0x5] =	wrdreg s25  }
0x11: {  	v27 =	vor.u32 $0xC100, v0;
	v28 =	vor.u32 $0xC180, v0;
	v29 =	vor.u32 $0xC200, v0;
	s26 =	smax.u32 s5, $0x1;
	s25 =	simm.s32 $0xDC00;
	s0 =	simm.s32 $0xE800  }
0x12: {  	v30 =	vor.u32 $0xC280, v0;
	v31 =	vor.u32 $0xC300, v0;
	v32 =	vor.u32 $0xC380, v0;
	s5 =	simm.s32 $0x7000;
	[dreg:$0x6] =	wrdreg s26;
	s26 =	simm.s32 $0x6000  }
.LBB2_5:
0x13: {  	s19 =	rddreg [dreg:$0x5];
	s20 =	simm.s32 $0x3  }
0x14: {  	[hbm4b:s19+s3] =	stream.linear.scatter [tilespmem:s17], [sflag:$0x3], $0x2000, $0x38;
	[tilespmem:$0x12400] =	vst v63  }
0x15: {  	_ =	swait.ge [sflag:s20], $0x2000  }
0x16: {  	s21 =	rddreg [dreg:$0x7]  }
0x17: {  	s24 =	rddreg [dreg:$0x6];
	s21 =	sadd.s32 $0x1, s21  }
0x18: {  	p0 =	sne.s32 s21, s24  }
.Ltmp1:
0x19: {  	_ = 	snop;
	(pc) =	sbr.rel @!p0 .LBB2_6-.Ltmp1, $3  }
0x1a: {  	_ =	sdelay $0x1  }
0x1b: {  	[sflag:s20] =	ssyncset.done $0x0  }
0x1c: {  	[sflag:s20] =	ssyncadd.s32 $0xFFFFE000  }
.LBB2_1:
0x1d: {  	[dreg:$0x7] =	wrdreg s21  }
0x1e: {  	s19 =	rddreg [dreg:$0x4]  }
0x1f: {  	[tilespmem:s3], [sflag:$0x3] =	stream.linear.gather [hbm4b:s19+s3], $0x200, $0x38;
	[tilespmem:$0x12400] =	vst v63  }
0x20: {  	_ =	swait.ge [sflag:s20], $0x200  }
0x21: {  	[sflag:s20] =	ssyncset.done $0x0  }
0x22: {  	[sflag:s20] =	ssyncadd.s32 $0xFFFFFE00  }
0x23: {  	v33 =	vld [tilespmem:$0x0]  }
0x24: {  	v34 =	vld [tilespmem:$0x10]  }
0x25: {  	v35 =	vld [tilespmem:$0x20]  }
0x26: {  	v36 =	vld [tilespmem:$0x30]  }
0x27: {  	v37 =	vld [tilespmem:$0x40]  }
0x28: {  	v39 =	vld [tilespmem:$0x50];
	v38 =	vand.u32 $0xFFFFFF80, v33  }
0x29: {  	v53 =	vld [tilespmem:$0x60];
	v34 =	vand.u32 $0xFFFFFF80, v34;
	[tilespmem:$0x200] =	vst v38  }
0x2a: {  	v55 =	vld [tilespmem:$0x70];
	v54 =	vand.u32 $0xFFFFFF80, v35;
	[tilespmem:$0x210] =	vst v34  }
0x2b: {  	v57 =	vld [tilespmem:$0x80];
	v56 =	vand.u32 $0xFFFFFF80, v36;
	[tilespmem:$0x220] =	vst v54  }
0x2c: {  	v59 =	vld [tilespmem:$0x90];
	v58 =	vand.u32 $0xFFFFFF80, v37;
	[tilespmem:$0x230] =	vst v56  }
0x2d: {  	v61 =	vld [tilespmem:$0xA0];
	v60 =	vand.u32 $0xFFFFFF80, v39;
	[tilespmem:$0x240] =	vst v58  }
0x2e: {  	v63 =	vld [tilespmem:$0xB0];
	v62 =	vand.u32 $0xFFFFFF80, v53;
	[tilespmem:$0x250] =	vst v60  }
0x2f: {  	v43 =	vld [tilespmem:$0xC0];
	v42 =	vand.u32 $0xFFFFFF80, v55;
	[tilespmem:$0x260] =	vst v62  }
0x30: {  	v45 =	vld [tilespmem:$0xD0];
	v44 =	vand.u32 $0xFFFFFF80, v57;
	[tilespmem:$0x270] =	vst v42  }
0x31: {  	v47 =	vld [tilespmem:$0xE0];
	v46 =	vand.u32 $0xFFFFFF80, v59;
	[tilespmem:$0x280] =	vst v44  }
0x32: {  	v49 =	vld [tilespmem:$0xF0];
	v48 =	vand.u32 $0xFFFFFF80, v61;
	[tilespmem:$0x290] =	vst v46  }
0x33: {  	v51 =	vld [tilespmem:$0x100];
	v50 =	vand.u32 $0xFFFFFF80, v63;
	[tilespmem:$0x2A0] =	vst v48  }
0x34: {  	v52 =	vand.u32 $0xFFFFFF80, v43;
	v53 =	vld [tilespmem:$0x110];
	[tilespmem:$0x2B0] =	vst v50  }
0x35: {  	v55 =	vld [tilespmem:$0x120];
	[tilespmem:$0x2C0] =	vst v52;
	v54 =	vand.u32 $0xFFFFFF80, v45  }
0x36: {  	v57 =	vld [tilespmem:$0x130];
	(v2sf) =	vpush v33, $0x0;
	v56 =	vand.u32 $0xFFFFFF80, v47;
	[tilespmem:$0x2D0] =	vst v54  }
0x37: {  	v59 =	vld [tilespmem:$0x140];
	v58 =	vand.u32 $0xFFFFFF80, v49;
	[tilespmem:$0x2E0] =	vst v56  }
0x38: {  	v61 =	vld [tilespmem:$0x150];
	v60 =	vand.u32 $0xFFFFFF80, v51;
	[tilespmem:$0x2F0] =	vst v58  }
0x39: {  	v63 =	vld [tilespmem:$0x160];
	(v2sf) =	vpush v33, $0x1;
	[tilespmem:$0x300] =	vst v60;
	v62 =	vand.u32 $0xFFFFFF80, v53  }
0x3a: {  	v42 =	vld [tilespmem:$0x170];
	v41 =	vand.u32 $0xFFFFFF80, v55;
	[tilespmem:$0x310] =	vst v62  }
0x3b: {  	v44 =	vld [tilespmem:$0x180];
	v43 =	vand.u32 $0xFFFFFF80, v57;
	[tilespmem:$0x320] =	vst v41  }
0x3c: {  	v46 =	vld [tilespmem:$0x190];
	v45 =	vand.u32 $0xFFFFFF80, v59;
	[tilespmem:$0x330] =	vst v43  }
0x3d: {  	v48 =	vld [tilespmem:$0x1A0];
	(v2sf) =	vpush v33, $0x2;
	v47 =	vand.u32 $0xFFFFFF80, v61;
	[tilespmem:$0x340] =	vst v45  }
0x3e: {  	v50 =	vld [tilespmem:$0x1B0];
	v49 =	vand.u32 $0xFFFFFF80, v63;
	[tilespmem:$0x350] =	vst v47  }
0x3f: {  	v52 =	vld [tilespmem:$0x1C0];
	[tilespmem:$0x360] =	vst v49;
	v51 =	vand.u32 $0xFFFFFF80, v42  }
0x40: {  	v54 =	vld [tilespmem:$0x1D0];
	v53 =	vand.u32 $0xFFFFFF80, v44;
	[tilespmem:$0x370] =	vst v51  }
0x41: {  	v56 =	vld [tilespmem:$0x1E0];
	v55 =	vand.u32 $0xFFFFFF80, v46;
	[tilespmem:$0x380] =	vst v53  }
0x42: {  	v58 =	vld [tilespmem:$0x1F0];
	v57 =	vand.u32 $0xFFFFFF80, v48;
	[tilespmem:$0x390] =	vst v55  }
0x43: {  	v59 =	vand.u32 $0xFFFFFF80, v50;
	[tilespmem:$0x3A0] =	vst v57  }
0x44: {  	v60 =	vand.u32 $0xFFFFFF80, v52;
	[tilespmem:$0x3B0] =	vst v59  }
0x45: {  	[tilespmem:$0x3C0] =	vst v60;
	v61 =	vand.u32 $0xFFFFFF80, v54;
	s22 =	spop (v2sf);
	(v2sf) =	vpush v33, $0x3  }
0x46: {  	v62 =	vand.u32 $0xFFFFFF80, v56;
	[tilespmem:$0x3D0] =	vst v61  }
0x47: {  	v63 =	vand.u32 $0xFFFFFF80, v58;
	[tilespmem:$0x3E0] =	vst v62;
	s19 =	sand.u32 $0xFFFFF80, s22  }
0x48: {  	[tilespmem:$0x3F0] =	vst v63;
	s21 =	spop (v2sf);
	(v2sf) =	vpush v33, $0x4;
	s19 =	sadd.s32 s1, s19  }
0x49: {  	[tilespmem:s8], [sflag:$0x1] =	stream.linear.gather [hbm4b:s19+s3], $0x400, $0x38;
	[tilespmem:$0x12400] =	vst v63  }
0x4a: {  	s24 =	simm.s32 $0x8400;
	s19 =	sadd.s32 $0xF4280, s19  }
0x4b: {  	[tilespmem:s24], [sflag:$0x1] =	stream.linear.gather [hbm4b:s19+s3], $0x400, $0x38;
	[tilespmem:$0x12400] =	vst v63  }
0x4c: {  	s19 =	sand.u32 $0xFFFFF80, s21;
	s21 =	spop (v2sf);
	(v2sf) =	vpush v33, $0x5  }
0x4d: {  	s22 =	simm.s32 $0x800;
	s19 =	sadd.s32 s1, s19  }
0x4e: {  	[tilespmem:s22], [sflag:$0x1] =	stream.linear.gather [hbm4b:s19+s3], $0x400, $0x38;
	[tilespmem:$0x12400] =	vst v63  }
0x4f: {  	s24 =	simm.s32 $0x8800;
	s19 =	sadd.s32 $0xF4280, s19  }
0x50: {  	[tilespmem:s24], [sflag:$0x1] =	stream.linear.gather [hbm4b:s19+s3], $0x400, $0x38;
	[tilespmem:$0x12400] =	vst v63  }
0x51: {  	s19 =	sand.u32 $0xFFFFF80, s21  }
0x52: {  	s22 =	simm.s32 $0xC00;
	s19 =	sadd.s32 s1, s19  }
0x53: {  	[tilespmem:s22], [sflag:$0x1] =	stream.linear.gather [hbm4b:s19+s3], $0x400, $0x38;
	[tilespmem:$0x12400] =	vst v63  }
0x54: {  	s24 =	simm.s32 $0x8C00;
	s19 =	sadd.s32 $0xF4280, s19;
	s21 =	spop (v2sf);
	(v2sf) =	vpush v33, $0x6  }
0x55: {  	[tilespmem:s24], [sflag:$0x1] =	stream.linear.gather [hbm4b:s19+s3], $0x400, $0x38;
	[tilespmem:$0x12400] =	vst v63  }
0x56: {  	s19 =	sand.u32 $0xFFFFF80, s21  }
0x57: {  	s22 =	simm.s32 $0x1000;
	s21 =	spop (v2sf);
	(v2sf) =	vpush v33, $0x7;
	s19 =	sadd.s32 s1, s19  }
0x58: {  	[tilespmem:s22], [sflag:$0x1] =	stream.linear.gather [hbm4b:s19+s3], $0x400, $0x38;
	[tilespmem:$0x12400] =	vst v63  }
0x59: {  	s24 =	simm.s32 $0x9000;
	s19 =	sadd.s32 $0xF4280, s19  }
0x5a: {  	[tilespmem:s24], [sflag:$0x1] =	stream.linear.gather [hbm4b:s19+s3], $0x400, $0x38;
	[tilespmem:$0x12400] =	vst v63  }
0x5b: {  	s19 =	sand.u32 $0xFFFFF80, s21;
	s21 =	spop (v2sf);
	(v2sf) =	vpush v33, $0x8  }
0x5c: {  	s22 =	simm.s32 $0x1400;
	s19 =	sadd.s32 s1, s19  }
0x5d: {  	[tilespmem:s22], [sflag:$0x1] =	stream.linear.gather [hbm4b:s19+s3], $0x400, $0x38;
	[tilespmem:$0x12400] =	vst v63  }
0x5e: {  	s24 =	simm.s32 $0x9400;
	s19 =	sadd.s32 $0xF4280, s19  }
0x5f: {  	[tilespmem:s24], [sflag:$0x1] =	stream.linear.gather [hbm4b:s19+s3], $0x400, $0x38;
	[tilespmem:$0x12400] =	vst v63  }
0x60: {  	s19 =	sand.u32 $0xFFFFF80, s21  }
0x61: {  	s22 =	simm.s32 $0x1800;
	s19 =	sadd.s32 s1, s19  }
0x62: {  	[tilespmem:s22], [sflag:$0x1] =	stream.linear.gather [hbm4b:s19+s3], $0x400, $0x38;
	[tilespmem:$0x12400] =	vst v63  }
0x63: {  	s24 =	simm.s32 $0x9800;
	s19 =	sadd.s32 $0xF4280, s19;
	s21 =	spop (v2sf);
	(v2sf) =	vpush v33, $0x9  }
0x64: {  	[tilespmem:s24], [sflag:$0x1] =	stream.linear.gather [hbm4b:s19+s3], $0x400, $0x38;
	[tilespmem:$0x12400] =	vst v63  }
0x65: {  	s19 =	sand.u32 $0xFFFFF80, s21  }
0x66: {  	s22 =	simm.s32 $0x1C00;
	s21 =	spop (v2sf);
	(v2sf) =	vpush v33, $0xA;
	s19 =	sadd.s32 s1, s19  }
0x67: {  	[tilespmem:s22], [sflag:$0x1] =	stream.linear.gather [hbm4b:s19+s3], $0x400, $0x38;
	[tilespmem:$0x12400] =	vst v63  }
0x68: {  	s24 =	simm.s32 $0x9C00;
	s19 =	sadd.s32 $0xF4280, s19  }
0x69: {  	[tilespmem:s24], [sflag:$0x1] =	stream.linear.gather [hbm4b:s19+s3], $0x400, $0x38;
	[tilespmem:$0x12400] =	vst v63  }
0x6a: {  	s19 =	sand.u32 $0xFFFFF80, s21;
	s21 =	spop (v2sf);
	(v2sf) =	vpush v33, $0xB  }
0x6b: {  	s22 =	simm.s32 $0x2000;
	s19 =	sadd.s32 s1, s19  }
0x6c: {  	[tilespmem:s22], [sflag:$0x1] =	stream.linear.gather [hbm4b:s19+s3], $0x400, $0x38;
	[tilespmem:$0x12400] =	vst v63  }
0x6d: {  	s24 =	simm.s32 $0xA000;
	s19 =	sadd.s32 $0xF4280, s19  }
0x6e: {  	[tilespmem:s24], [sflag:$0x1] =	stream.linear.gather [hbm4b:s19+s3], $0x400, $0x38;
	[tilespmem:$0x12400] =	vst v63  }
0x6f: {  	s19 =	sand.u32 $0xFFFFF80, s21  }
0x70: {  	s22 =	simm.s32 $0x2400;
	s19 =	sadd.s32 s1, s19  }
0x71: {  	[tilespmem:s22], [sflag:$0x1] =	stream.linear.gather [hbm4b:s19+s3], $0x400, $0x38;
	[tilespmem:$0x12400] =	vst v63  }
0x72: {  	s24 =	simm.s32 $0xA400;
	s19 =	sadd.s32 $0xF4280, s19;
	s21 =	spop (v2sf);
	(v2sf) =	vpush v33, $0xC  }
0x73: {  	[tilespmem:s24], [sflag:$0x1] =	stream.linear.gather [hbm4b:s19+s3], $0x400, $0x38;
	[tilespmem:$0x12400] =	vst v63  }
0x74: {  	s19 =	sand.u32 $0xFFFFF80, s21  }
0x75: {  	s22 =	simm.s32 $0x2800;
	s21 =	spop (v2sf);
	(v2sf) =	vpush v33, $0xD;
	s19 =	sadd.s32 s1, s19  }
0x76: {  	[tilespmem:s22], [sflag:$0x1] =	stream.linear.gather [hbm4b:s19+s3], $0x400, $0x38;
	[tilespmem:$0x12400] =	vst v63  }
0x77: {  	s24 =	simm.s32 $0xA800;
	s19 =	sadd.s32 $0xF4280, s19  }
0x78: {  	[tilespmem:s24], [sflag:$0x1] =	stream.linear.gather [hbm4b:s19+s3], $0x400, $0x38;
	[tilespmem:$0x12400] =	vst v63  }
0x79: {  	s19 =	sand.u32 $0xFFFFF80, s21;
	s21 =	spop (v2sf);
	(v2sf) =	vpush v33, $0xE  }
0x7a: {  	s22 =	simm.s32 $0x2C00;
	s19 =	sadd.s32 s1, s19  }
0x7b: {  	[tilespmem:s22], [sflag:$0x1] =	stream.linear.gather [hbm4b:s19+s3], $0x400, $0x38;
	[tilespmem:$0x12400] =	vst v63  }
0x7c: {  	s24 =	simm.s32 $0xAC00;
	s19 =	sadd.s32 $0xF4280, s19  }
0x7d: {  	[tilespmem:s24], [sflag:$0x1] =	stream.linear.gather [hbm4b:s19+s3], $0x400, $0x38;
	[tilespmem:$0x12400] =	vst v63  }
0x7e: {  	s19 =	sand.u32 $0xFFFFF80, s21  }
0x7f: {  	s22 =	simm.s32 $0x3000;
	s19 =	sadd.s32 s1, s19  }
0x80: {  	[tilespmem:s22], [sflag:$0x1] =	stream.linear.gather [hbm4b:s19+s3], $0x400, $0x38;
	[tilespmem:$0x12400] =	vst v63  }
0x81: {  	s24 =	simm.s32 $0xB000;
	s19 =	sadd.s32 $0xF4280, s19;
	s20 =	spop (v2sf);
	(v2sf) =	vpush v33, $0xF  }
0x82: {  	[tilespmem:s24], [sflag:$0x1] =	stream.linear.gather [hbm4b:s19+s3], $0x400, $0x38;
	[tilespmem:$0x12400] =	vst v63  }
0x83: {  	s19 =	sand.u32 $0xFFFFF80, s20  }
0x84: {  	s21 =	simm.s32 $0x3400;
	s22 =	spop (v2sf);
	s19 =	sadd.s32 s1, s19  }
0x85: {  	[tilespmem:s21], [sflag:$0x1] =	stream.linear.gather [hbm4b:s19+s3], $0x400, $0x38;
	[tilespmem:$0x12400] =	vst v63  }
0x86: {  	s24 =	simm.s32 $0xB400;
	s20 =	sand.u32 $0xFFFFF80, s22;
	s19 =	sadd.s32 $0xF4280, s19  }
0x87: {  	[tilespmem:s24], [sflag:$0x1] =	stream.linear.gather [hbm4b:s19+s3], $0x400, $0x38;
	[tilespmem:$0x12400] =	vst v63  }
0x88: {  	s21 =	simm.s32 $0x3800;
	s19 =	sadd.s32 s1, s20;
	s22 =	spop (v2sf)  }
0x89: {  	[tilespmem:s21], [sflag:$0x1] =	stream.linear.gather [hbm4b:s19+s3], $0x400, $0x38;
	[tilespmem:$0x12400] =	vst v63  }
0x8a: {  	s24 =	simm.s32 $0xB800;
	s19 =	sadd.s32 $0xF4280, s19;
	s21 =	sand.u32 $0xFFFFF80, s22  }
0x8b: {  	[tilespmem:s24], [sflag:$0x1] =	stream.linear.gather [hbm4b:s19+s3], $0x400, $0x38;
	[tilespmem:$0x12400] =	vst v63  }
0x8c: {  	s22 =	simm.s32 $0x3C00;
	s19 =	sadd.s32 s1, s21  }
0x8d: {  	[tilespmem:s22], [sflag:$0x1] =	stream.linear.gather [hbm4b:s19+s3], $0x400, $0x38;
	[tilespmem:$0x12400] =	vst v63  }
0x8e: {  	s24 =	simm.s32 $0xBC00;
	s19 =	sadd.s32 $0xF4280, s19  }
0x8f: {  	[tilespmem:s24], [sflag:$0x1] =	stream.linear.gather [hbm4b:s19+s3], $0x400, $0x38;
	[tilespmem:$0x12400] =	vst v63  }
0x90: {  	s21 =	spop (v2sf)  }
0x91: {  	s19 =	sand.u32 $0xFFFFF80, s21  }
.Ltmp2:
0x92: {  	s22 =	simm.s32 $0x4000;
	s19 =	sadd.s32 s1, s19;
	(pc) =	sbr.rel .LBB2_2-.Ltmp2, $4  }
0x93: {  	[tilespmem:s22], [sflag:$0x1] =	stream.linear.gather [hbm4b:s19+s3], $0x400, $0x38;
	[tilespmem:$0x12400] =	vst v63  }
0x94: {  	s24 =	simm.s32 $0xC000;
	s19 =	sadd.s32 $0xF4280, s19  }
0x95: {  	[tilespmem:s24], [sflag:$0x1] =	stream.linear.gather [hbm4b:s19+s3], $0x400, $0x38;
	[tilespmem:$0x12400] =	vst v63  }
0x96: {  	s20 =	simm.s32 $0x220;
	s21 =	simm.s32 $0x0;
	s19 =	simm.s32 $0x10  }
.LBB2_4:
0x97: {  	_ =	swait.ge [sflag:s18], $0x8000  }
0x98: {  	[sflag:s18] =	ssyncset.done $0x0  }
0x99: {  	[sflag:s18] =	ssyncadd.s32 $0xFFFF8000  }
0x9a: {  	v33 =	vld [tilespmem:s19+$0x0];
	_ =	sdelay $0x4  }
0x9b: {  	v33 =	vand.u32 $0x7F, v33  }
0x9c: {  	v34 =	vor.u32 v17, v33;
	_ =	sdelay $0x1  }
0x9d: {  	s22 =	sadd.s32 $0x10, s21  }
0x9e: {  	v35 =	vmov s22  }
0x9f: {  	v35 =	vshll.u32 v35, $0x4  }
0xa0: {  	v35 =	vor.u32 v1, v35;
	v34 =	vld.idx.msk [tilespmem:v34+s8+$0x0], $0xffff  }
0xa1: {  	v36 =	vor.u32 v18, v33;
	_ =	sdelay $0x3  }
0xa2: {  	[tilespmem:v35+s17+$0x0] =	vst.idx.msk $0xffff, v34  }
0xa3: {  	v61 =	vor.u32 $0x1, v35;
	v34 =	vld.idx.msk [tilespmem:v36+s8+$0x0], $0xffff  }
0xa4: {  	v37 =	vor.u32 v19, v33;
	_ =	sdelay $0x3  }
0xa5: {  	[tilespmem:v61+s17+$0x0] =	vst.idx.msk $0xffff, v34  }
0xa6: {  	v62 =	vor.u32 $0x2, v35;
	v34 =	vld.idx.msk [tilespmem:v37+s8+$0x0], $0xffff  }
0xa7: {  	v63 =	vor.u32 v20, v33;
	_ =	sdelay $0x3  }
0xa8: {  	[tilespmem:v62+s17+$0x0] =	vst.idx.msk $0xffff, v34  }
0xa9: {  	v40 =	vor.u32 $0x3, v35;
	v34 =	vld.idx.msk [tilespmem:v63+s8+$0x0], $0xffff  }
0xaa: {  	v41 =	vor.u32 v21, v33;
	_ =	sdelay $0x3  }
0xab: {  	[tilespmem:v40+s17+$0x0] =	vst.idx.msk $0xffff, v34  }
0xac: {  	v42 =	vor.u32 $0x4, v35;
	v34 =	vld.idx.msk [tilespmem:v41+s8+$0x0], $0xffff  }
0xad: {  	v43 =	vor.u32 v22, v33;
	_ =	sdelay $0x3  }
0xae: {  	[tilespmem:v42+s17+$0x0] =	vst.idx.msk $0xffff, v34  }
0xaf: {  	v44 =	vor.u32 $0x5, v35;
	v34 =	vld.idx.msk [tilespmem:v43+s8+$0x0], $0xffff  }
0xb0: {  	v45 =	vor.u32 v23, v33;
	_ =	sdelay $0x3  }
0xb1: {  	[tilespmem:v44+s17+$0x0] =	vst.idx.msk $0xffff, v34  }
0xb2: {  	v46 =	vor.u32 $0x6, v35;
	v34 =	vld.idx.msk [tilespmem:v45+s8+$0x0], $0xffff  }
0xb3: {  	v47 =	vor.u32 v24, v33;
	_ =	sdelay $0x3  }
0xb4: {  	[tilespmem:v46+s17+$0x0] =	vst.idx.msk $0xffff, v34  }
0xb5: {  	v48 =	vor.u32 $0x7, v35;
	v34 =	vld.idx.msk [tilespmem:v47+s8+$0x0], $0xffff  }
0xb6: {  	v49 =	vor.u32 v25, v33;
	_ =	sdelay $0x3  }
0xb7: {  	[tilespmem:v48+s17+$0x0] =	vst.idx.msk $0xffff, v34  }
0xb8: {  	v50 =	vor.u32 $0x8, v35;
	v34 =	vld.idx.msk [tilespmem:v49+s8+$0x0], $0xffff  }
0xb9: {  	v51 =	vor.u32 v26, v33;
	_ =	sdelay $0x3  }
0xba: {  	[tilespmem:v50+s17+$0x0] =	vst.idx.msk $0xffff, v34  }
0xbb: {  	v52 =	vor.u32 $0x9, v35;
	v34 =	vld.idx.msk [tilespmem:v51+s8+$0x0], $0xffff  }
0xbc: {  	v53 =	vor.u32 v27, v33;
	_ =	sdelay $0x3  }
0xbd: {  	[tilespmem:v52+s17+$0x0] =	vst.idx.msk $0xffff, v34  }
0xbe: {  	v54 =	vor.u32 $0xA, v35;
	v34 =	vld.idx.msk [tilespmem:v53+s8+$0x0], $0xffff  }
0xbf: {  	v55 =	vor.u32 v28, v33;
	_ =	sdelay $0x3  }
0xc0: {  	[tilespmem:v54+s17+$0x0] =	vst.idx.msk $0xffff, v34  }
0xc1: {  	v56 =	vor.u32 $0xB, v35;
	v34 =	vld.idx.msk [tilespmem:v55+s8+$0x0], $0xffff  }
0xc2: {  	v57 =	vor.u32 v29, v33;
	_ =	sdelay $0x3  }
0xc3: {  	[tilespmem:v56+s17+$0x0] =	vst.idx.msk $0xffff, v34  }
0xc4: {  	v58 =	vor.u32 $0xC, v35;
	v34 =	vld.idx.msk [tilespmem:v57+s8+$0x0], $0xffff  }
0xc5: {  	v59 =	vor.u32 v30, v33;
	_ =	sdelay $0x3  }
0xc6: {  	[tilespmem:v58+s17+$0x0] =	vst.idx.msk $0xffff, v34  }
0xc7: {  	v60 =	vor.u32 $0xD, v35;
	v34 =	vld.idx.msk [tilespmem:v59+s8+$0x0], $0xffff  }
0xc8: {  	v61 =	vor.u32 v31, v33;
	_ =	sdelay $0x3  }
0xc9: {  	[tilespmem:v60+s17+$0x0] =	vst.idx.msk $0xffff, v34  }
0xca: {  	v62 =	vor.u32 $0xE, v35;
	v34 =	vld.idx.msk [tilespmem:v61+s8+$0x0], $0xffff  }
0xcb: {  	v33 =	vor.u32 v32, v33;
	_ =	sdelay $0x3  }
0xcc: {  	s21 =	sadd.s32 $0x20, s21;
	[tilespmem:v62+s17+$0x0] =	vst.idx.msk $0xffff, v34  }
0xcd: {  	p0 =	sne.s32 s21, $0x200;
	v63 =	vor.u32 $0xF, v35;
	v33 =	vld.idx.msk [tilespmem:v33+s8+$0x0], $0xffff  }
.Ltmp3:
0xce: {  	_ = 	snop;
	(pc) =	sbr.rel @!p0 .LBB2_5-.Ltmp3, $2  }
0xcf: {  	_ =	sdelay $0x2  }
0xd0: {  	s20 =	sadd.s32 $0x20, s20;
	s19 =	sadd.s32 $0x20, s19;
	[tilespmem:v63+s17+$0x0] =	vst.idx.msk $0xffff, v33  }
.LBB2_2:
0xd1: {  	v33 =	vld [tilespmem:s20+$0xFFFFFFF0];
	_ =	sdelay $0x4  }
0xd2: {  	(v2sf) =	vpush v33, $0x0;
	_ =	sdelay $0x5  }
0xd3: {  	(v2sf) =	vpush v33, $0x1;
	_ =	sdelay $0x5  }
0xd4: {  	(v2sf) =	vpush v33, $0x2;
	_ =	sdelay $0x2  }
0xd5: {  	s22 =	spop (v2sf)  }
0xd6: {  	s22 =	sand.u32 $0xFFFFF80, s22  }
0xd7: {  	s22 =	sadd.s32 s1, s22  }
0xd8: {  	(v2sf) =	vpush v33, $0x3;
	[tilespmem:s23], [sflag:$0x2] =	stream.linear.gather [hbm4b:s22+s3], $0x400, $0x38;
	[tilespmem:$0x12400] =	vst v63  }
0xd9: {  	s24 =	simm.s32 $0xC400;
	s22 =	sadd.s32 $0xF4280, s22  }
0xda: {  	[tilespmem:s24], [sflag:$0x2] =	stream.linear.gather [hbm4b:s22+s3], $0x400, $0x38;
	[tilespmem:$0x12400] =	vst v63  }
0xdb: {  	s24 =	spop (v2sf)  }
0xdc: {  	s22 =	sand.u32 $0xFFFFF80, s24  }
0xdd: {  	s24 =	simm.s32 $0x4800;
	s22 =	sadd.s32 s1, s22  }
0xde: {  	(v2sf) =	vpush v33, $0x4;
	[tilespmem:s24], [sflag:$0x2] =	stream.linear.gather [hbm4b:s22+s3], $0x400, $0x38;
	[tilespmem:$0x12400] =	vst v63  }
0xdf: {  	s22 =	sadd.s32 $0xF4280, s22;
	s24 =	simm.s32 $0xC800  }
0xe0: {  	[tilespmem:s24], [sflag:$0x2] =	stream.linear.gather [hbm4b:s22+s3], $0x400, $0x38;
	[tilespmem:$0x12400] =	vst v63  }
0xe1: {  	s24 =	spop (v2sf)  }
0xe2: {  	s22 =	sand.u32 $0xFFFFF80, s24  }
0xe3: {  	s24 =	simm.s32 $0x4C00;
	s22 =	sadd.s32 s1, s22  }
0xe4: {  	(v2sf) =	vpush v33, $0x5;
	[tilespmem:s24], [sflag:$0x2] =	stream.linear.gather [hbm4b:s22+s3], $0x400, $0x38;
	[tilespmem:$0x12400] =	vst v63  }
0xe5: {  	s22 =	sadd.s32 $0xF4280, s22;
	s24 =	simm.s32 $0xCC00  }
0xe6: {  	[tilespmem:s24], [sflag:$0x2] =	stream.linear.gather [hbm4b:s22+s3], $0x400, $0x38;
	[tilespmem:$0x12400] =	vst v63  }
0xe7: {  	s24 =	spop (v2sf)  }
0xe8: {  	s22 =	sand.u32 $0xFFFFF80, s24  }
0xe9: {  	s24 =	simm.s32 $0x5000;
	s22 =	sadd.s32 s1, s22  }
0xea: {  	(v2sf) =	vpush v33, $0x6;
	[tilespmem:s24], [sflag:$0x2] =	stream.linear.gather [hbm4b:s22+s3], $0x400, $0x38;
	[tilespmem:$0x12400] =	vst v63  }
0xeb: {  	s22 =	sadd.s32 $0xF4280, s22;
	s24 =	simm.s32 $0xD000  }
0xec: {  	[tilespmem:s24], [sflag:$0x2] =	stream.linear.gather [hbm4b:s22+s3], $0x400, $0x38;
	[tilespmem:$0x12400] =	vst v63  }
0xed: {  	s24 =	spop (v2sf)  }
0xee: {  	s22 =	sand.u32 $0xFFFFF80, s24  }
0xef: {  	s24 =	simm.s32 $0x5400;
	s22 =	sadd.s32 s1, s22  }
0xf0: {  	(v2sf) =	vpush v33, $0x7;
	[tilespmem:s24], [sflag:$0x2] =	stream.linear.gather [hbm4b:s22+s3], $0x400, $0x38;
	[tilespmem:$0x12400] =	vst v63  }
0xf1: {  	s22 =	sadd.s32 $0xF4280, s22;
	s24 =	simm.s32 $0xD400  }
0xf2: {  	[tilespmem:s24], [sflag:$0x2] =	stream.linear.gather [hbm4b:s22+s3], $0x400, $0x38;
	[tilespmem:$0x12400] =	vst v63  }
0xf3: {  	s24 =	spop (v2sf)  }
0xf4: {  	s22 =	sand.u32 $0xFFFFF80, s24  }
0xf5: {  	s24 =	simm.s32 $0x5800;
	s22 =	sadd.s32 s1, s22  }
0xf6: {  	(v2sf) =	vpush v33, $0x8;
	[tilespmem:s24], [sflag:$0x2] =	stream.linear.gather [hbm4b:s22+s3], $0x400, $0x38;
	[tilespmem:$0x12400] =	vst v63  }
0xf7: {  	s22 =	sadd.s32 $0xF4280, s22;
	s24 =	simm.s32 $0xD800  }
0xf8: {  	[tilespmem:s24], [sflag:$0x2] =	stream.linear.gather [hbm4b:s22+s3], $0x400, $0x38;
	[tilespmem:$0x12400] =	vst v63  }
0xf9: {  	s24 =	spop (v2sf)  }
0xfa: {  	s22 =	sand.u32 $0xFFFFF80, s24  }
0xfb: {  	s24 =	simm.s32 $0x5C00;
	s22 =	sadd.s32 s1, s22  }
0xfc: {  	(v2sf) =	vpush v33, $0x9;
	[tilespmem:s24], [sflag:$0x2] =	stream.linear.gather [hbm4b:s22+s3], $0x400, $0x38;
	[tilespmem:$0x12400] =	vst v63  }
0xfd: {  	s22 =	sadd.s32 $0xF4280, s22  }
0xfe: {  	[tilespmem:s25], [sflag:$0x2] =	stream.linear.gather [hbm4b:s22+s3], $0x400, $0x38;
	[tilespmem:$0x12400] =	vst v63  }
0xff: {  	s24 =	spop (v2sf)  }
0x100: {  	s22 =	sand.u32 $0xFFFFF80, s24  }
0x101: {  	s22 =	sadd.s32 s1, s22  }
0x102: {  	(v2sf) =	vpush v33, $0xA;
	[tilespmem:s26], [sflag:$0x2] =	stream.linear.gather [hbm4b:s22+s3], $0x400, $0x38;
	[tilespmem:$0x12400] =	vst v63  }
0x103: {  	s22 =	sadd.s32 $0xF4280, s22  }
0x104: {  	[tilespmem:s28], [sflag:$0x2] =	stream.linear.gather [hbm4b:s22+s3], $0x400, $0x38;
	[tilespmem:$0x12400] =	vst v63  }
0x105: {  	s24 =	spop (v2sf)  }
0x106: {  	s22 =	sand.u32 $0xFFFFF80, s24  }
0x107: {  	s22 =	sadd.s32 s1, s22  }
0x108: {  	(v2sf) =	vpush v33, $0xB;
	[tilespmem:s29], [sflag:$0x2] =	stream.linear.gather [hbm4b:s22+s3], $0x400, $0x38;
	[tilespmem:$0x12400] =	vst v63  }
0x109: {  	s22 =	sadd.s32 $0xF4280, s22  }
0x10a: {  	[tilespmem:s30], [sflag:$0x2] =	stream.linear.gather [hbm4b:s22+s3], $0x400, $0x38;
	[tilespmem:$0x12400] =	vst v63  }
0x10b: {  	s24 =	spop (v2sf)  }
0x10c: {  	s22 =	sand.u32 $0xFFFFF80, s24  }
0x10d: {  	s22 =	sadd.s32 s1, s22  }
0x10e: {  	(v2sf) =	vpush v33, $0xC;
	[tilespmem:s31], [sflag:$0x2] =	stream.linear.gather [hbm4b:s22+s3], $0x400, $0x38;
	[tilespmem:$0x12400] =	vst v63  }
0x10f: {  	s22 =	sadd.s32 $0xF4280, s22  }
0x110: {  	[tilespmem:s0], [sflag:$0x2] =	stream.linear.gather [hbm4b:s22+s3], $0x400, $0x38;
	[tilespmem:$0x12400] =	vst v63  }
0x111: {  	s24 =	spop (v2sf)  }
0x112: {  	s22 =	sand.u32 $0xFFFFF80, s24  }
0x113: {  	s22 =	sadd.s32 s1, s22  }
0x114: {  	(v2sf) =	vpush v33, $0xD;
	[tilespmem:s2], [sflag:$0x2] =	stream.linear.gather [hbm4b:s22+s3], $0x400, $0x38;
	[tilespmem:$0x12400] =	vst v63  }
0x115: {  	s22 =	sadd.s32 $0xF4280, s22  }
0x116: {  	[tilespmem:s4], [sflag:$0x2] =	stream.linear.gather [hbm4b:s22+s3], $0x400, $0x38;
	[tilespmem:$0x12400] =	vst v63  }
0x117: {  	s24 =	spop (v2sf)  }
0x118: {  	s22 =	sand.u32 $0xFFFFF80, s24  }
0x119: {  	s22 =	sadd.s32 s1, s22  }
0x11a: {  	(v2sf) =	vpush v33, $0xE;
	[tilespmem:s5], [sflag:$0x2] =	stream.linear.gather [hbm4b:s22+s3], $0x400, $0x38;
	[tilespmem:$0x12400] =	vst v63  }
0x11b: {  	s22 =	sadd.s32 $0xF4280, s22  }
0x11c: {  	[tilespmem:s6], [sflag:$0x2] =	stream.linear.gather [hbm4b:s22+s3], $0x400, $0x38;
	[tilespmem:$0x12400] =	vst v63  }
0x11d: {  	s24 =	spop (v2sf)  }
0x11e: {  	s22 =	sand.u32 $0xFFFFF80, s24  }
0x11f: {  	s22 =	sadd.s32 s1, s22  }
0x120: {  	(v2sf) =	vpush v33, $0xF;
	[tilespmem:s7], [sflag:$0x2] =	stream.linear.gather [hbm4b:s22+s3], $0x400, $0x38;
	[tilespmem:$0x12400] =	vst v63  }
0x121: {  	s22 =	sadd.s32 $0xF4280, s22  }
0x122: {  	[tilespmem:s9], [sflag:$0x2] =	stream.linear.gather [hbm4b:s22+s3], $0x400, $0x38;
	[tilespmem:$0x12400] =	vst v63  }
0x123: {  	s24 =	spop (v2sf)  }
0x124: {  	s22 =	sand.u32 $0xFFFFF80, s24  }
0x125: {  	s22 =	sadd.s32 s1, s22  }
0x126: {  	[tilespmem:s10], [sflag:$0x2] =	stream.linear.gather [hbm4b:s22+s3], $0x400, $0x38;
	[tilespmem:$0x12400] =	vst v63  }
0x127: {  	s22 =	sadd.s32 $0xF4280, s22  }
0x128: {  	[tilespmem:s11], [sflag:$0x2] =	stream.linear.gather [hbm4b:s22+s3], $0x400, $0x38;
	[tilespmem:$0x12400] =	vst v63  }
0x129: {  	s24 =	spop (v2sf)  }
0x12a: {  	s22 =	sand.u32 $0xFFFFF80, s24  }
0x12b: {  	s22 =	sadd.s32 s1, s22  }
0x12c: {  	[tilespmem:s12], [sflag:$0x2] =	stream.linear.gather [hbm4b:s22+s3], $0x400, $0x38;
	[tilespmem:$0x12400] =	vst v63  }
0x12d: {  	s22 =	sadd.s32 $0xF4280, s22  }
0x12e: {  	[tilespmem:s13], [sflag:$0x2] =	stream.linear.gather [hbm4b:s22+s3], $0x400, $0x38;
	[tilespmem:$0x12400] =	vst v63  }
0x12f: {  	s24 =	spop (v2sf)  }
0x130: {  	s22 =	sand.u32 $0xFFFFF80, s24  }
0x131: {  	s22 =	sadd.s32 s1, s22  }
0x132: {  	[tilespmem:s14], [sflag:$0x2] =	stream.linear.gather [hbm4b:s22+s3], $0x400, $0x38;
	[tilespmem:$0x12400] =	vst v63  }
0x133: {  	s22 =	sadd.s32 $0xF4280, s22  }
0x134: {  	[tilespmem:s15], [sflag:$0x2] =	stream.linear.gather [hbm4b:s22+s3], $0x400, $0x38;
	[tilespmem:$0x12400] =	vst v63  }
0x135: {  	_ =	swait.ge [sflag:s16], $0x8000  }
0x136: {  	[sflag:s16] =	ssyncset.done $0x0  }
0x137: {  	[sflag:s16] =	ssyncadd.s32 $0xFFFF8000  }
0x138: {  	v60 =	vld [tilespmem:s19+$0xFFFFFFF0];
	_ =	sdelay $0x4  }
0x139: {  	v33 =	vand.u32 $0x7F, v60  }
0x13a: {  	v34 =	vor.u32 v0, v33;
	_ =	sdelay $0x2  }
0x13b: {  	v35 =	vmov s21  }
0x13c: {  	v35 =	vshll.u32 v35, $0x4  }
0x13d: {  	v35 =	vor.u32 v1, v35;
	v34 =	vld.idx.msk [tilespmem:v34+s8+$0x0], $0xffff  }
0x13e: {  	v36 =	vor.u32 v2, v33;
	_ =	sdelay $0x3  }
0x13f: {  	[tilespmem:v35+s17+$0x0] =	vst.idx.msk $0xffff, v34  }
0x140: {  	v61 =	vor.u32 $0x1, v35;
	v34 =	vld.idx.msk [tilespmem:v36+s8+$0x0], $0xffff  }
0x141: {  	v37 =	vor.u32 v3, v33;
	_ =	sdelay $0x3  }
0x142: {  	[tilespmem:v61+s17+$0x0] =	vst.idx.msk $0xffff, v34  }
0x143: {  	v62 =	vor.u32 $0x2, v35;
	v34 =	vld.idx.msk [tilespmem:v37+s8+$0x0], $0xffff  }
0x144: {  	v63 =	vor.u32 v4, v33;
	_ =	sdelay $0x3  }
0x145: {  	[tilespmem:v62+s17+$0x0] =	vst.idx.msk $0xffff, v34  }
0x146: {  	v40 =	vor.u32 $0x3, v35;
	v34 =	vld.idx.msk [tilespmem:v63+s8+$0x0], $0xffff  }
0x147: {  	v41 =	vor.u32 v5, v33;
	_ =	sdelay $0x3  }
0x148: {  	[tilespmem:v40+s17+$0x0] =	vst.idx.msk $0xffff, v34  }
0x149: {  	v42 =	vor.u32 $0x4, v35;
	v34 =	vld.idx.msk [tilespmem:v41+s8+$0x0], $0xffff  }
0x14a: {  	v43 =	vor.u32 v6, v33;
	_ =	sdelay $0x3  }
0x14b: {  	[tilespmem:v42+s17+$0x0] =	vst.idx.msk $0xffff, v34  }
0x14c: {  	v44 =	vor.u32 $0x5, v35;
	v34 =	vld.idx.msk [tilespmem:v43+s8+$0x0], $0xffff  }
0x14d: {  	v45 =	vor.u32 v7, v33;
	_ =	sdelay $0x3  }
0x14e: {  	[tilespmem:v44+s17+$0x0] =	vst.idx.msk $0xffff, v34  }
0x14f: {  	v46 =	vor.u32 $0x6, v35;
	v34 =	vld.idx.msk [tilespmem:v45+s8+$0x0], $0xffff  }
0x150: {  	v47 =	vor.u32 v8, v33;
	_ =	sdelay $0x3  }
0x151: {  	[tilespmem:v46+s17+$0x0] =	vst.idx.msk $0xffff, v34  }
0x152: {  	v48 =	vor.u32 $0x7, v35;
	v34 =	vld.idx.msk [tilespmem:v47+s8+$0x0], $0xffff  }
0x153: {  	v49 =	vor.u32 v9, v33;
	_ =	sdelay $0x3  }
0x154: {  	[tilespmem:v48+s17+$0x0] =	vst.idx.msk $0xffff, v34  }
0x155: {  	v50 =	vor.u32 $0x8, v35;
	v34 =	vld.idx.msk [tilespmem:v49+s8+$0x0], $0xffff  }
0x156: {  	v51 =	vor.u32 v10, v33;
	_ =	sdelay $0x3  }
0x157: {  	[tilespmem:v50+s17+$0x0] =	vst.idx.msk $0xffff, v34  }
0x158: {  	v52 =	vor.u32 $0x9, v35;
	v34 =	vld.idx.msk [tilespmem:v51+s8+$0x0], $0xffff  }
0x159: {  	v53 =	vor.u32 v11, v33;
	_ =	sdelay $0x3  }
0x15a: {  	[tilespmem:v52+s17+$0x0] =	vst.idx.msk $0xffff, v34  }
0x15b: {  	v54 =	vor.u32 $0xA, v35;
	v34 =	vld.idx.msk [tilespmem:v53+s8+$0x0], $0xffff  }
0x15c: {  	v55 =	vor.u32 v12, v33;
	_ =	sdelay $0x3  }
0x15d: {  	[tilespmem:v54+s17+$0x0] =	vst.idx.msk $0xffff, v34  }
0x15e: {  	v56 =	vor.u32 $0xB, v35;
	v34 =	vld.idx.msk [tilespmem:v55+s8+$0x0], $0xffff  }
0x15f: {  	v57 =	vor.u32 v13, v33;
	_ =	sdelay $0x3  }
0x160: {  	[tilespmem:v56+s17+$0x0] =	vst.idx.msk $0xffff, v34  }
0x161: {  	v58 =	vor.u32 $0xC, v35;
	v34 =	vld.idx.msk [tilespmem:v57+s8+$0x0], $0xffff  }
0x162: {  	v59 =	vor.u32 v14, v33;
	_ =	sdelay $0x3  }
0x163: {  	[tilespmem:v58+s17+$0x0] =	vst.idx.msk $0xffff, v34  }
0x164: {  	v60 =	vor.u32 $0xD, v35;
	v34 =	vld.idx.msk [tilespmem:v59+s8+$0x0], $0xffff  }
0x165: {  	v61 =	vor.u32 v15, v33;
	_ =	sdelay $0x3  }
0x166: {  	[tilespmem:v60+s17+$0x0] =	vst.idx.msk $0xffff, v34  }
0x167: {  	v62 =	vor.u32 $0xE, v35;
	v34 =	vld.idx.msk [tilespmem:v61+s8+$0x0], $0xffff  }
0x168: {  	v33 =	vor.u32 v16, v33;
	_ =	sdelay $0x3  }
0x169: {  	[tilespmem:v62+s17+$0x0] =	vst.idx.msk $0xffff, v34  }
0x16a: {  	p0 =	seq.s32 s21, $0x1E0;
	v63 =	vor.u32 $0xF, v35;
	v33 =	vld.idx.msk [tilespmem:v33+s8+$0x0], $0xffff  }
.Ltmp4:
0x16b: {  	_ = 	snop;
	(pc) =	sbr.rel @p0 .LBB2_4-.Ltmp4, $2  }
0x16c: {  	_ =	sdelay $0x2  }
0x16d: {  	[tilespmem:v63+s17+$0x0] =	vst.idx.msk $0xffff, v33  }
0x16e: {  	v33 =	vld [tilespmem:s20+$0x0];
	_ =	sdelay $0x4  }
0x16f: {  	(v2sf) =	vpush v33, $0x0;
	_ =	sdelay $0x5  }
0x170: {  	(v2sf) =	vpush v33, $0x1;
	_ =	sdelay $0x3  }
0x171: {  	(v2sf) =	vpush v33, $0x2;
	_ =	sdelay $0x4  }
0x172: {  	s22 =	spop (v2sf)  }
0x173: {  	s22 =	sand.u32 $0xFFFFF80, s22  }
0x174: {  	(v2sf) =	vpush v33, $0x3;
	s22 =	sadd.s32 s1, s22  }
0x175: {  	[tilespmem:s8], [sflag:$0x1] =	stream.linear.gather [hbm4b:s22+s3], $0x400, $0x38;
	[tilespmem:$0x12400] =	vst v63  }
0x176: {  	s23 =	simm.s32 $0x8400;
	s22 =	sadd.s32 $0xF4280, s22  }
0x177: {  	[tilespmem:s23], [sflag:$0x1] =	stream.linear.gather [hbm4b:s22+s3], $0x400, $0x38;
	[tilespmem:$0x12400] =	vst v63  }
0x178: {  	s23 =	spop (v2sf)  }
0x179: {  	s22 =	sand.u32 $0xFFFFF80, s23  }
0x17a: {  	s24 =	simm.s32 $0x800;
	(v2sf) =	vpush v33, $0x4;
	s22 =	sadd.s32 s1, s22  }
0x17b: {  	[tilespmem:s24], [sflag:$0x1] =	stream.linear.gather [hbm4b:s22+s3], $0x400, $0x38;
	[tilespmem:$0x12400] =	vst v63  }
0x17c: {  	s23 =	spop (v2sf);
	s22 =	sadd.s32 $0xF4280, s22;
	s24 =	simm.s32 $0x8800  }
0x17d: {  	[tilespmem:s24], [sflag:$0x1] =	stream.linear.gather [hbm4b:s22+s3], $0x400, $0x38;
	[tilespmem:$0x12400] =	vst v63  }
0x17e: {  	(v2sf) =	vpush v33, $0x5;
	s22 =	sand.u32 $0xFFFFF80, s23  }
0x17f: {  	s24 =	simm.s32 $0xC00;
	s22 =	sadd.s32 s1, s22  }
0x180: {  	[tilespmem:s24], [sflag:$0x1] =	stream.linear.gather [hbm4b:s22+s3], $0x400, $0x38;
	[tilespmem:$0x12400] =	vst v63  }
0x181: {  	s22 =	sadd.s32 $0xF4280, s22;
	s24 =	simm.s32 $0x8C00  }
0x182: {  	[tilespmem:s24], [sflag:$0x1] =	stream.linear.gather [hbm4b:s22+s3], $0x400, $0x38;
	[tilespmem:$0x12400] =	vst v63  }
0x183: {  	s23 =	spop (v2sf)  }
0x184: {  	s22 =	sand.u32 $0xFFFFF80, s23  }
0x185: {  	s24 =	simm.s32 $0x1000;
	(v2sf) =	vpush v33, $0x6;
	s22 =	sadd.s32 s1, s22  }
0x186: {  	[tilespmem:s24], [sflag:$0x1] =	stream.linear.gather [hbm4b:s22+s3], $0x400, $0x38;
	[tilespmem:$0x12400] =	vst v63  }
0x187: {  	s22 =	sadd.s32 $0xF4280, s22;
	s24 =	simm.s32 $0x9000  }
0x188: {  	[tilespmem:s24], [sflag:$0x1] =	stream.linear.gather [hbm4b:s22+s3], $0x400, $0x38;
	[tilespmem:$0x12400] =	vst v63  }
0x189: {  	s23 =	spop (v2sf)  }
0x18a: {  	s22 =	sand.u32 $0xFFFFF80, s23  }
0x18b: {  	s24 =	simm.s32 $0x1400;
	(v2sf) =	vpush v33, $0x7;
	s22 =	sadd.s32 s1, s22  }
0x18c: {  	[tilespmem:s24], [sflag:$0x1] =	stream.linear.gather [hbm4b:s22+s3], $0x400, $0x38;
	[tilespmem:$0x12400] =	vst v63  }
0x18d: {  	s23 =	spop (v2sf);
	s22 =	sadd.s32 $0xF4280, s22;
	s24 =	simm.s32 $0x9400  }
0x18e: {  	[tilespmem:s24], [sflag:$0x1] =	stream.linear.gather [hbm4b:s22+s3], $0x400, $0x38;
	[tilespmem:$0x12400] =	vst v63  }
0x18f: {  	(v2sf) =	vpush v33, $0x8;
	s22 =	sand.u32 $0xFFFFF80, s23  }
0x190: {  	s24 =	simm.s32 $0x1800;
	s22 =	sadd.s32 s1, s22  }
0x191: {  	[tilespmem:s24], [sflag:$0x1] =	stream.linear.gather [hbm4b:s22+s3], $0x400, $0x38;
	[tilespmem:$0x12400] =	vst v63  }
0x192: {  	s22 =	sadd.s32 $0xF4280, s22;
	s24 =	simm.s32 $0x9800  }
0x193: {  	[tilespmem:s24], [sflag:$0x1] =	stream.linear.gather [hbm4b:s22+s3], $0x400, $0x38;
	[tilespmem:$0x12400] =	vst v63  }
0x194: {  	s23 =	spop (v2sf)  }
0x195: {  	s22 =	sand.u32 $0xFFFFF80, s23  }
0x196: {  	s24 =	simm.s32 $0x1C00;
	(v2sf) =	vpush v33, $0x9;
	s22 =	sadd.s32 s1, s22  }
0x197: {  	[tilespmem:s24], [sflag:$0x1] =	stream.linear.gather [hbm4b:s22+s3], $0x400, $0x38;
	[tilespmem:$0x12400] =	vst v63  }
0x198: {  	s22 =	sadd.s32 $0xF4280, s22;
	s24 =	simm.s32 $0x9C00  }
0x199: {  	[tilespmem:s24], [sflag:$0x1] =	stream.linear.gather [hbm4b:s22+s3], $0x400, $0x38;
	[tilespmem:$0x12400] =	vst v63  }
0x19a: {  	s23 =	spop (v2sf)  }
0x19b: {  	s22 =	sand.u32 $0xFFFFF80, s23  }
0x19c: {  	s24 =	simm.s32 $0x2000;
	(v2sf) =	vpush v33, $0xA;
	s22 =	sadd.s32 s1, s22  }
0x19d: {  	[tilespmem:s24], [sflag:$0x1] =	stream.linear.gather [hbm4b:s22+s3], $0x400, $0x38;
	[tilespmem:$0x12400] =	vst v63  }
0x19e: {  	s23 =	spop (v2sf);
	s22 =	sadd.s32 $0xF4280, s22;
	s24 =	simm.s32 $0xA000  }
0x19f: {  	[tilespmem:s24], [sflag:$0x1] =	stream.linear.gather [hbm4b:s22+s3], $0x400, $0x38;
	[tilespmem:$0x12400] =	vst v63  }
0x1a0: {  	(v2sf) =	vpush v33, $0xB;
	s22 =	sand.u32 $0xFFFFF80, s23  }
0x1a1: {  	s24 =	simm.s32 $0x2400;
	s22 =	sadd.s32 s1, s22  }
0x1a2: {  	[tilespmem:s24], [sflag:$0x1] =	stream.linear.gather [hbm4b:s22+s3], $0x400, $0x38;
	[tilespmem:$0x12400] =	vst v63  }
0x1a3: {  	s22 =	sadd.s32 $0xF4280, s22;
	s24 =	simm.s32 $0xA400  }
0x1a4: {  	[tilespmem:s24], [sflag:$0x1] =	stream.linear.gather [hbm4b:s22+s3], $0x400, $0x38;
	[tilespmem:$0x12400] =	vst v63  }
0x1a5: {  	s23 =	spop (v2sf)  }
0x1a6: {  	s22 =	sand.u32 $0xFFFFF80, s23  }
0x1a7: {  	s24 =	simm.s32 $0x2800;
	(v2sf) =	vpush v33, $0xC;
	s22 =	sadd.s32 s1, s22  }
0x1a8: {  	[tilespmem:s24], [sflag:$0x1] =	stream.linear.gather [hbm4b:s22+s3], $0x400, $0x38;
	[tilespmem:$0x12400] =	vst v63  }
0x1a9: {  	s22 =	sadd.s32 $0xF4280, s22;
	s24 =	simm.s32 $0xA800  }
0x1aa: {  	[tilespmem:s24], [sflag:$0x1] =	stream.linear.gather [hbm4b:s22+s3], $0x400, $0x38;
	[tilespmem:$0x12400] =	vst v63  }
0x1ab: {  	s23 =	spop (v2sf)  }
0x1ac: {  	s22 =	sand.u32 $0xFFFFF80, s23  }
0x1ad: {  	s24 =	simm.s32 $0x2C00;
	(v2sf) =	vpush v33, $0xD;
	s22 =	sadd.s32 s1, s22  }
0x1ae: {  	[tilespmem:s24], [sflag:$0x1] =	stream.linear.gather [hbm4b:s22+s3], $0x400, $0x38;
	[tilespmem:$0x12400] =	vst v63  }
0x1af: {  	s23 =	spop (v2sf);
	s22 =	sadd.s32 $0xF4280, s22;
	s24 =	simm.s32 $0xAC00  }
0x1b0: {  	[tilespmem:s24], [sflag:$0x1] =	stream.linear.gather [hbm4b:s22+s3], $0x400, $0x38;
	[tilespmem:$0x12400] =	vst v63  }
0x1b1: {  	(v2sf) =	vpush v33, $0xE;
	s22 =	sand.u32 $0xFFFFF80, s23  }
0x1b2: {  	s24 =	simm.s32 $0x3000;
	s22 =	sadd.s32 s1, s22  }
0x1b3: {  	[tilespmem:s24], [sflag:$0x1] =	stream.linear.gather [hbm4b:s22+s3], $0x400, $0x38;
	[tilespmem:$0x12400] =	vst v63  }
0x1b4: {  	s22 =	sadd.s32 $0xF4280, s22;
	s24 =	simm.s32 $0xB000  }
0x1b5: {  	[tilespmem:s24], [sflag:$0x1] =	stream.linear.gather [hbm4b:s22+s3], $0x400, $0x38;
	[tilespmem:$0x12400] =	vst v63  }
0x1b6: {  	s23 =	spop (v2sf)  }
0x1b7: {  	s22 =	sand.u32 $0xFFFFF80, s23  }
0x1b8: {  	s24 =	simm.s32 $0x3400;
	(v2sf) =	vpush v33, $0xF;
	s22 =	sadd.s32 s1, s22  }
0x1b9: {  	[tilespmem:s24], [sflag:$0x1] =	stream.linear.gather [hbm4b:s22+s3], $0x400, $0x38;
	[tilespmem:$0x12400] =	vst v63  }
0x1ba: {  	s22 =	sadd.s32 $0xF4280, s22;
	s24 =	simm.s32 $0xB400  }
0x1bb: {  	[tilespmem:s24], [sflag:$0x1] =	stream.linear.gather [hbm4b:s22+s3], $0x400, $0x38;
	[tilespmem:$0x12400] =	vst v63  }
0x1bc: {  	s23 =	spop (v2sf)  }
0x1bd: {  	s22 =	sand.u32 $0xFFFFF80, s23  }
0x1be: {  	s24 =	simm.s32 $0x3800;
	s22 =	sadd.s32 s1, s22  }
0x1bf: {  	[tilespmem:s24], [sflag:$0x1] =	stream.linear.gather [hbm4b:s22+s3], $0x400, $0x38;
	[tilespmem:$0x12400] =	vst v63  }
0x1c0: {  	s23 =	spop (v2sf);
	s22 =	sadd.s32 $0xF4280, s22;
	s24 =	simm.s32 $0xB800  }
0x1c1: {  	[tilespmem:s24], [sflag:$0x1] =	stream.linear.gather [hbm4b:s22+s3], $0x400, $0x38;
	[tilespmem:$0x12400] =	vst v63  }
0x1c2: {  	s22 =	sand.u32 $0xFFFFF80, s23  }
0x1c3: {  	s24 =	simm.s32 $0x3C00;
	s22 =	sadd.s32 s1, s22  }
0x1c4: {  	[tilespmem:s24], [sflag:$0x1] =	stream.linear.gather [hbm4b:s22+s3], $0x400, $0x38;
	[tilespmem:$0x12400] =	vst v63  }
0x1c5: {  	s22 =	sadd.s32 $0xF4280, s22;
	s24 =	simm.s32 $0xBC00  }
0x1c6: {  	[tilespmem:s24], [sflag:$0x1] =	stream.linear.gather [hbm4b:s22+s3], $0x400, $0x38;
	[tilespmem:$0x12400] =	vst v63  }
0x1c7: {  	s23 =	spop (v2sf)  }
.Ltmp5:
0x1c8: {  	s22 =	sand.u32 $0xFFFFF80, s23;
	(pc) =	sbr.rel .LBB2_4-.Ltmp5, $4  }
0x1c9: {  	s24 =	simm.s32 $0x4000;
	s22 =	sadd.s32 s1, s22  }
0x1ca: {  	[tilespmem:s24], [sflag:$0x1] =	stream.linear.gather [hbm4b:s22+s3], $0x400, $0x38;
	[tilespmem:$0x12400] =	vst v63  }
0x1cb: {  	s23 =	simm.s32 $0x4400;
	s22 =	sadd.s32 $0xF4280, s22;
	s24 =	simm.s32 $0xC000  }
0x1cc: {  	[tilespmem:s24], [sflag:$0x1] =	stream.linear.gather [hbm4b:s22+s3], $0x400, $0x38;
	[tilespmem:$0x12400] =	vst v63  }
.LBB2_6:
0x1cd: {  	_ =	sfence.sel $0x180000  }
0x1ce: {  	[bflag:$0x0] =	sbarrier.arrive $0xFFFF  }
0x1cf: {  	_ =	strace $0x90000047  }
0x1d0: {  	s0 =	stileid.u32;
	[bflag:$0x2] =	sbarrier.arrive $0xFFFF  }
0x1d1: {  	p0 =	sne.s32 s0, $0x0;
	s0 =	rddreg [dreg:$0x3]  }
0x1d2: {  	s0 =	sadd.s32 @!p0 $0x100000, s0  }
0x1d3: {  	[sflag:s0] =	ssyncadd.tile.s32 @!p0 $0x1;
	_ =	shalt  }
.Lfunc_end2:
_tile_overlayer_lowered:
.L_overlay_start_2:
0x1d4: {  	(tag) =	ssettag $0x2  }
0x1d5: {  	s0 =	rddreg [dreg:$0x0];
	s2 =	stileid.u32  }
0x1d6: {  	s1 =	rddreg [dreg:$0x1];
	p0 =	sne.s32 s2, $0x0  }
0x1d7: {  	s3 =	rddreg [dreg:$0x2];
	[bflag:$0x3] =	sbarrier.arrive $0xFFFF;
	s2 =	simm.s32 @!p0 $0x1C03  }
0x1d8: {  	[timem:s3], [sflag:s2] =	dma.local @!p0 [hbm:s0], s1  }
0x1d9: {  	s0 =	simm.s32 @!p0 $0x3  }
0x1da: {  	_ =	swait.ge @!p0 [sflag:s0], s1  }
0x1db: {  	s1 =	ssub.s32 @!p0 $0x0, s1;
	[sflag:s0] =	ssyncset.done @!p0 $0x0  }
0x1dc: {  	[sflag:s0] =	ssyncadd.s32 @!p0 s1  }
0x1dd: {  	[bflag:$0x3] =	sbarrier.arrive $0xFFFF  }
0x1de: {  	_ =	shalt  }

</sc_bundles>
